<compile_context>
chip_gen: v7x
topology: tpu7x:2x2x1
jax: 0.10.2.dev20260603
libtpu: 0.0.44.dev20260713+nightly
codegen_flags: <defaults>
</compile_context>

<pallas_src>
import functools

import jax
import jax.numpy as jnp
from jax import lax
from jax.experimental import pallas as pl
from jax.experimental.pallas import tpu as pltpu
from jax.experimental.pallas import tpu_sc as plsc

N_NODES = 10000
NPAD = 10240
D = 128
E = 320000
G = 16
NC = 2
NS = 16
NW = NC * NS
CH = 128
KCH = 80
EPAD = NW * KCH * CH
RPT = NPAD // NS
BR = 256
GR = NPAD // BR

_MESH = dict(core_axis_name="c", subcore_axis_name="s", num_cores=NC,
             num_subcores=NS)



@functools.partial(
    pl.kernel,
    out_type=jax.ShapeDtypeStruct((NC, NPAD), jnp.float32),
    mesh=plsc.VectorSubcoreMesh(**_MESH),
    scratch_types=[
        pltpu.VMEM((KCH, CH), jnp.int32),
        pltpu.VMEM((CH,), jnp.float32),
        pltpu.VMEM((RPT,), jnp.float32),
        pltpu.VMEM_SHARED((NPAD,), jnp.float32),
        pltpu.SemaphoreType.DMA,
    ],
)
def _sc_degree(dst3, out, dstall, onesv, zv, acc, dsem):
    c = lax.axis_index("c")
    s = lax.axis_index("s")
    wid = s * NC + c
    pltpu.sync_copy(dst3.at[wid, pl.ds(0, KCH)], dstall)

    def zbody(i, _):
        zv[pl.ds(pl.multiple_of(i * 16, 16), 16)] = jnp.zeros((16,), jnp.float32)
        return 0

    lax.fori_loop(0, RPT // 16, zbody, 0)
    for q in range(CH // 16):
        onesv[pl.ds(q * 16, 16)] = jnp.ones((16,), jnp.float32)
    pltpu.sync_copy(zv, acc.at[pl.ds(s * RPT, RPT)])
    plsc.subcore_barrier()

    def ebody(j, _):
        pltpu.async_copy(onesv, acc.at[dstall.at[j]], dsem, add=True)
        return 0

    lax.fori_loop(0, KCH, ebody, 0)

    def dbody(j, _):
        pltpu.make_async_copy(onesv, acc.at[dstall.at[0]], dsem).wait()
        return 0

    lax.fori_loop(0, KCH, dbody, 0)
    plsc.subcore_barrier()
    sl = pl.ds(s * RPT, RPT)
    pltpu.sync_copy(acc.at[sl], out.at[c, sl])


@functools.partial(
    pl.kernel,
    out_type=jax.ShapeDtypeStruct((NC, NPAD, D), jnp.float32),
    mesh=plsc.VectorSubcoreMesh(**_MESH),
    scratch_types=[
        pltpu.VMEM((KCH + 1, CH), jnp.int32),
        pltpu.VMEM((CH,), jnp.int32),
        pltpu.VMEM((CH,), jnp.int32),
        pltpu.VMEM((CH, D), jnp.float32),
        pltpu.VMEM((CH, D), jnp.float32),
        pltpu.VMEM_SHARED((NPAD, D), jnp.float32),
        pltpu.SemaphoreType.DMA,
        pltpu.SemaphoreType.DMA,
        pltpu.SemaphoreType.DMA,
        pltpu.SemaphoreType.DMA,
        pltpu.SemaphoreType.DMA,
        pltpu.SemaphoreType.DMA,
    ],
)
def _sc_aggregate(y, src3, dst3, out, srcall, dstv0, dstv1, rows0, rows1,
                  acc, gsem0, gsem1, ssem0, ssem1, dsem0, dsem1):
    c = lax.axis_index("c")
    s = lax.axis_index("s")
    wid = s * NC + c
    pltpu.sync_copy(src3.at[wid], srcall)
    pltpu.sync_copy(dst3.at[wid, 0], dstv0)
    pltpu.async_copy(dst3.at[wid, 1], dstv1, dsem1)

    def zbody(i, _):
        for q in range(D // 16):
            rows0[i, pl.ds(q * 16, 16)] = jnp.zeros((16,), jnp.float32)
        return 0

    lax.fori_loop(0, CH, zbody, 0)
    for k in range(RPT // CH):
        pltpu.sync_copy(rows0, acc.at[pl.ds(s * RPT + k * CH, CH)])
    plsc.subcore_barrier()

    def gwait(sem, rows):
        pltpu.make_async_copy(y.at[srcall.at[0]], rows, sem).wait()

    def swait(sem, rows):
        pltpu.make_async_copy(rows, acc.at[dstv0], sem).wait()

    def dwait(sem, dstv):
        pltpu.make_async_copy(dst3.at[wid, 0], dstv, sem).wait()

    pltpu.async_copy(y.at[srcall.at[0]], rows0, gsem0)

    def ebody(i, _):
        j = 2 * i
        gwait(gsem0, rows0)
        pltpu.async_copy(y.at[srcall.at[j + 1]], rows1, gsem1)
        pltpu.async_copy(rows0, acc.at[dstv0], ssem0, add=True)
        dwait(dsem1, dstv1)
        gwait(gsem1, rows1)
        swait(ssem0, rows0)
        pltpu.async_copy(dst3.at[wid, j + 2], dstv0, dsem0)
        pltpu.async_copy(y.at[srcall.at[j + 2]], rows0, gsem0)
        pltpu.async_copy(rows1, acc.at[dstv1], ssem1, add=True)
        swait(ssem1, rows1)
        pltpu.async_copy(dst3.at[wid, j + 3], dstv1, dsem1)
        dwait(dsem0, dstv0)
        return 0

    lax.fori_loop(0, KCH // 2, ebody, 0)
    gwait(gsem0, rows0)
    dwait(dsem1, dstv1)
    plsc.subcore_barrier()
    sl = pl.ds(s * RPT, RPT)
    pltpu.sync_copy(acc.at[sl], out.at[c, sl])



def _dinv_col(degp_ref):
    deg = degp_ref[:, 0:1] + degp_ref[:, 1:2] + 1.0
    return lax.rsqrt(deg)


def _tc_prep_body(x_ref, degp_ref, w1_ref, y1_ref):
    dinv = _dinv_col(degp_ref)
    xw = x_ref[:, 0:1] * w1_ref[0:1, :] + x_ref[:, 1:2] * w1_ref[1:2, :]
    y1_ref[...] = xw * dinv


_tc_prep = pl.pallas_call(
    _tc_prep_body,
    grid=(GR,),
    in_specs=[
        pl.BlockSpec((BR, 2), lambda i: (i, 0)),
        pl.BlockSpec((BR, NC), lambda i: (i, 0)),
        pl.BlockSpec((2, D), lambda i: (0, 0)),
    ],
    out_specs=pl.BlockSpec((BR, D), lambda i: (i, 0)),
    out_shape=jax.ShapeDtypeStruct((NPAD, D), jnp.float32),
)


def _tc_mid_body(y1_ref, p_ref, degp_ref, b1_ref, w2_ref, y2_ref):
    dinv = _dinv_col(degp_ref)
    h = (p_ref[0] + p_ref[1] + y1_ref[...]) * dinv + b1_ref[...]
    h = jnp.maximum(h, 0.0)
    y2_ref[...] = jnp.dot(h, w2_ref[...],
                          preferred_element_type=jnp.float32) * dinv


_tc_mid = pl.pallas_call(
    _tc_mid_body,
    grid=(GR,),
    in_specs=[
        pl.BlockSpec((BR, D), lambda i: (i, 0)),
        pl.BlockSpec((NC, BR, D), lambda i: (0, i, 0)),
        pl.BlockSpec((BR, NC), lambda i: (i, 0)),
        pl.BlockSpec((1, D), lambda i: (0, 0)),
        pl.BlockSpec((D, D), lambda i: (0, 0)),
    ],
    out_specs=pl.BlockSpec((BR, D), lambda i: (i, 0)),
    out_shape=jax.ShapeDtypeStruct((NPAD, D), jnp.float32),
)


def _tc_final_body(y2_ref, q_ref, degp_ref, b2_ref, batch_ref, out_ref,
                   sums, counts):
    i = pl.program_id(0)

    @pl.when(i == 0)
    def _():
        sums[...] = jnp.zeros((G, D), jnp.float32)
        counts[...] = jnp.zeros((G, D), jnp.float32)

    dinv = _dinv_col(degp_ref)
    ob = (q_ref[0] + q_ref[1] + y2_ref[...]) * dinv + b2_ref[...]
    bblk = batch_ref[0, 0, :]
    oh = (lax.broadcasted_iota(jnp.int32, (G, BR), 0)
          == bblk[None, :]).astype(jnp.float32)
    sums[...] += jnp.dot(oh, ob, preferred_element_type=jnp.float32)
    counts[...] += jnp.dot(oh, jnp.ones((BR, D), jnp.float32),
                           preferred_element_type=jnp.float32)

    @pl.when(i == GR - 1)
    def _():
        out_ref[...] = sums[...] / jnp.maximum(counts[...], 1.0)


_tc_final = pl.pallas_call(
    _tc_final_body,
    grid=(GR,),
    in_specs=[
        pl.BlockSpec((BR, D), lambda i: (i, 0)),
        pl.BlockSpec((NC, BR, D), lambda i: (0, i, 0)),
        pl.BlockSpec((BR, NC), lambda i: (i, 0)),
        pl.BlockSpec((1, D), lambda i: (0, 0)),
        pl.BlockSpec((1, 1, BR), lambda i: (i, 0, 0)),
    ],
    out_specs=pl.BlockSpec((G, D), lambda i: (0, 0)),
    out_shape=jax.ShapeDtypeStruct((G, D), jnp.float32),
    scratch_shapes=[
        pltpu.VMEM((G, D), jnp.float32),
        pltpu.VMEM((G, D), jnp.float32),
    ],
)



@jax.jit
def kernel(invert0, invert1, edge_index, batch, W1, b1, W2, b2):
    f32 = jnp.float32
    x = jnp.stack([invert0, invert1], axis=1).astype(f32)
    x = jnp.pad(x, ((0, NPAD - N_NODES), (0, 0)))
    src = edge_index[0]
    dst = edge_index[1]
    pad_src = (jnp.arange(EPAD - E, dtype=jnp.int32) * 97) % N_NODES
    src3 = jnp.concatenate([src, pad_src]).reshape(NW, KCH, CH)
    ext_src = ((jnp.arange(NW * CH, dtype=jnp.int32) * 13) % N_NODES)
    src3 = jnp.concatenate(
        [src3, ext_src.reshape(NW, 1, CH)], axis=1)
    pad_dst = N_NODES + (jnp.arange(EPAD - E, dtype=jnp.int32)
                         % (NPAD - N_NODES))
    dst3 = jnp.concatenate([dst, pad_dst]).reshape(NW, KCH, CH)
    dst3 = jnp.concatenate(
        [dst3, jnp.full((NW, 2, CH), NPAD - 1, jnp.int32)], axis=1)
    batch3 = jnp.pad(batch, (0, NPAD - N_NODES),
                     constant_values=G).reshape(GR, 1, BR)
    b1r = b1.reshape(1, D)
    b2r = b2.reshape(1, D)

    degp = _sc_degree(dst3)
    degp_t = degp.T
    y1 = _tc_prep(x, degp_t, W1)
    p = _sc_aggregate(y1, src3, dst3)
    y2 = _tc_mid(y1, p, degp_t, b1r, W2)
    q = _sc_aggregate(y2, src3, dst3)
    return _tc_final(y2, q, degp_t, b2r, batch3)

# --- scband reference (transcript-rebuilt; emitter-appended) ---
"""Pipeline reference for scband-gcn-89644557402315 (READ-ONLY COPY).

The authoritative reference and input builder live on the scoring server;
editing this copy changes nothing except your own understanding.
"""

import jax, jax.numpy as jnp
import numpy as np

N_NODES = 10000
N_EDGES = 320000
NUM_GRAPHS = 16
IN_DIM = 2
HIDDEN_DIM = 128
OUT_DIM = 128


def setup_inputs(seed: int = 0) -> dict:
    key = jax.random.key(seed)
    k1, k2, k3, k4, k5, k6 = jax.random.split(key, 6)
    invert0 = jax.random.randint(k1, (N_NODES,), 0, 2, dtype=jnp.int32)
    invert1 = jax.random.randint(k2, (N_NODES,), 0, 2, dtype=jnp.int32)
    edge_index = jax.random.randint(k3, (2, N_EDGES), 0, N_NODES, dtype=jnp.int32)
    batch = jnp.sort(jax.random.randint(k4, (N_NODES,), 0, NUM_GRAPHS, dtype=jnp.int32))
    W1 = jax.random.normal(k5, (IN_DIM, HIDDEN_DIM), dtype=jnp.float32) * 0.1
    b1 = jnp.zeros((HIDDEN_DIM,), dtype=jnp.float32)
    W2 = jax.random.normal(k6, (HIDDEN_DIM, OUT_DIM), dtype=jnp.float32) * 0.1
    b2 = jnp.zeros((OUT_DIM,), dtype=jnp.float32)
    return {"invert0": invert0, "invert1": invert1, "edge_index": edge_index,
            "batch": batch, "W1": W1, "b1": b1, "W2": W2, "b2": b2}


def gcn_conv(x, edge_index, W, b, num_nodes):
    # PyG GCNConv: x' = D^-1/2 (A + I) D^-1/2 (X W) + b
    x = x @ W
    src = edge_index[0]
    dst = edge_index[1]
    loop = jnp.arange(num_nodes, dtype=src.dtype)
    src = jnp.concatenate([src, loop])
    dst = jnp.concatenate([dst, loop])
    ones = jnp.ones(src.shape[0], dtype=x.dtype)
    deg = jnp.zeros((num_nodes,), dtype=x.dtype).at[dst].add(ones)
    deg_inv_sqrt = jnp.where(deg > 0, 1.0 / jnp.sqrt(deg), 0.0)
    norm = deg_inv_sqrt[src] * deg_inv_sqrt[dst]
    msg = x[src] * norm[:, None]
    out = jnp.zeros((num_nodes, x.shape[1]), dtype=x.dtype).at[dst].add(msg)
    return out + b


def global_mean_pool(x, batch, num_graphs):
    sums = jax.ops.segment_sum(x, batch, num_segments=num_graphs)
    counts = jax.ops.segment_sum(jnp.ones((x.shape[0],), dtype=x.dtype), batch, num_segments=num_graphs)
    counts = jnp.maximum(counts, 1.0)
    return sums / counts[:, None]


def reference(invert0, invert1, edge_index, batch, W1, b1, W2, b2):
    # raw_graph=True path: x = stack([invert0, invert1]).T.float()
    x = jnp.stack([invert0, invert1]).T.astype(jnp.float32)
    h = gcn_conv(x, edge_index, W1, b1, N_NODES)
    h = jax.nn.relu(h)
    # F.dropout with training=False (eval) is identity
    out = gcn_conv(h, edge_index, W2, b2, N_NODES)
    return global_mean_pool(out, batch, NUM_GRAPHS)

if __name__ == "__main__":
    import jax
    _d = setup_inputs()
    print(jax.jit(kernel)(*tuple(_d.values())))

</pallas_src>

<mosaic_0001>
#map = affine_map<(d0, d1) -> (0, 0)>
#map1 = affine_map<(d0, d1) -> (0, 0, 0)>
module attributes {stable_mosaic.version = 14 : i64} {
  func.func @_sc_aggregate(%arg0: i32, %arg1: i32, %arg2: memref<10240x128xf32, #tpu.memory_space<hbm>>, %arg3: memref<32x81x128xi32, #tpu.memory_space<hbm>>, %arg4: memref<32x82x128xi32, #tpu.memory_space<hbm>>, %arg5: memref<2x10240x128xf32, #tpu.memory_space<hbm>>, %arg6: memref<81x128xi32, #tpu.memory_space<vmem>>, %arg7: memref<128xi32, #tpu.memory_space<vmem>>, %arg8: memref<128xi32, #tpu.memory_space<vmem>>, %arg9: memref<128x128xf32, #tpu.memory_space<vmem>>, %arg10: memref<128x128xf32, #tpu.memory_space<vmem>>, %arg11: memref<10240x128xf32, #tpu.memory_space<vmem_shared>>, %arg12: memref<!tpu.dma_semaphore, #tpu.memory_space<semaphore_mem>>, %arg13: memref<!tpu.dma_semaphore, #tpu.memory_space<semaphore_mem>>, %arg14: memref<!tpu.dma_semaphore, #tpu.memory_space<semaphore_mem>>, %arg15: memref<!tpu.dma_semaphore, #tpu.memory_space<semaphore_mem>>, %arg16: memref<!tpu.dma_semaphore, #tpu.memory_space<semaphore_mem>>, %arg17: memref<!tpu.dma_semaphore, #tpu.memory_space<semaphore_mem>>) attributes {dimension_semantics = [#tpu.dimension_semantics<core_parallel>, #tpu.dimension_semantics<subcore_parallel>], iteration_bounds = array<i64: 2, 16>, scalar_prefetch = 0 : i64, scratch_operands = 12 : i64, tpu.core_type = #tpu.core_type<sc_vector_subcore>, window_params = [{transform_indices = #map}, {transform_indices = #map1}, {transform_indices = #map1}, {transform_indices = #map1}]} {
    %mul3A = arith.constant 2 : i32
    %mul3A_0 = arith.muli %arg1, %mul3A : i32
    %add3A = arith.addi %mul3A_0, %arg0 : i32
    "tpu.region"() ({
      %run_scoped3A_63 = tpu.sem_alloc : memref<!tpu.dma_semaphore, #tpu.memory_space<semaphore_mem>>
      %dma_start3A_64 = arith.constant 0 : i32
      %dma_start3A_65 = arith.constant 0 : i32
      %dma_start3A_66 = tpu.memref_slice %arg3[%add3A, %dma_start3A_64, %dma_start3A_65] : memref<32x81x128xi32, #tpu.memory_space<hbm>> -> memref<1x81x128xi32, #tpu.memory_space<hbm>>
      %dma_start3A_67 = tpu.memref_squeeze %dma_start3A_66 : memref<1x81x128xi32, #tpu.memory_space<hbm>> -> memref<81x128xi32, #tpu.memory_space<hbm>>
      %dma_start3A_68 = arith.constant 0 : i32
      %dma_start3A_69 = arith.constant 0 : i32
      %dma_start3A_70 = tpu.memref_slice %arg3[%add3A, %dma_start3A_68, %dma_start3A_69] : memref<32x81x128xi32, #tpu.memory_space<hbm>> -> memref<1x81x128xi32, #tpu.memory_space<hbm>>
      %dma_start3A_71 = tpu.memref_squeeze %dma_start3A_70 : memref<1x81x128xi32, #tpu.memory_space<hbm>> -> memref<81x128xi32, #tpu.memory_space<hbm>>
      tpu.enqueue_dma source(%dma_start3A_71 : memref<81x128xi32, #tpu.memory_space<hbm>>) target(%arg6 : memref<81x128xi32, #tpu.memory_space<vmem>>) target_semaphore(%run_scoped3A_63 : memref<!tpu.dma_semaphore, #tpu.memory_space<semaphore_mem>>)
      %dma_wait3A_72 = arith.constant 0 : i32
      %dma_wait3A_73 = arith.constant 0 : i32
      %dma_wait3A_74 = tpu.memref_slice %arg3[%add3A, %dma_wait3A_72, %dma_wait3A_73] : memref<32x81x128xi32, #tpu.memory_space<hbm>> -> memref<1x81x128xi32, #tpu.memory_space<hbm>>
      %dma_wait3A_75 = tpu.memref_squeeze %dma_wait3A_74 : memref<1x81x128xi32, #tpu.memory_space<hbm>> -> memref<81x128xi32, #tpu.memory_space<hbm>>
      %dma_wait3A_76 = arith.constant 0 : i32
      %dma_wait3A_77 = arith.constant 0 : i32
      %dma_wait3A_78 = tpu.memref_slice %arg3[%add3A, %dma_wait3A_76, %dma_wait3A_77] : memref<32x81x128xi32, #tpu.memory_space<hbm>> -> memref<1x81x128xi32, #tpu.memory_space<hbm>>
      %dma_wait3A_79 = tpu.memref_squeeze %dma_wait3A_78 : memref<1x81x128xi32, #tpu.memory_space<hbm>> -> memref<81x128xi32, #tpu.memory_space<hbm>>
      tpu.wait_dma2 semaphore(%run_scoped3A_63 : memref<!tpu.dma_semaphore, #tpu.memory_space<semaphore_mem>>) src(%dma_wait3A_79 : memref<81x128xi32, #tpu.memory_space<hbm>>) dst(%arg6 : memref<81x128xi32, #tpu.memory_space<vmem>>)
      tpu.yield
    }) : () -> ()
    %run_scoped3A = arith.constant 0 : i32
    "tpu.region"() ({
      %run_scoped3A_63 = tpu.sem_alloc : memref<!tpu.dma_semaphore, #tpu.memory_space<semaphore_mem>>
      %dma_start3A_64 = arith.constant 0 : i32
      %dma_start3A_65 = tpu.memref_slice %arg4[%add3A, %run_scoped3A, %dma_start3A_64] : memref<32x82x128xi32, #tpu.memory_space<hbm>> -> memref<1x1x128xi32, #tpu.memory_space<hbm>>
      %dma_start3A_66 = tpu.memref_squeeze %dma_start3A_65 : memref<1x1x128xi32, #tpu.memory_space<hbm>> -> memref<128xi32, #tpu.memory_space<hbm>>
      %dma_start3A_67 = arith.constant 0 : i32
      %dma_start3A_68 = tpu.memref_slice %arg4[%add3A, %run_scoped3A, %dma_start3A_67] : memref<32x82x128xi32, #tpu.memory_space<hbm>> -> memref<1x1x128xi32, #tpu.memory_space<hbm>>
      %dma_start3A_69 = tpu.memref_squeeze %dma_start3A_68 : memref<1x1x128xi32, #tpu.memory_space<hbm>> -> memref<128xi32, #tpu.memory_space<hbm>>
      tpu.enqueue_dma source(%dma_start3A_69 : memref<128xi32, #tpu.memory_space<hbm>>) target(%arg7 : memref<128xi32, #tpu.memory_space<vmem>>) target_semaphore(%run_scoped3A_63 : memref<!tpu.dma_semaphore, #tpu.memory_space<semaphore_mem>>)
      %dma_wait3A_70 = arith.constant 0 : i32
      %dma_wait3A_71 = tpu.memref_slice %arg4[%add3A, %run_scoped3A, %dma_wait3A_70] : memref<32x82x128xi32, #tpu.memory_space<hbm>> -> memref<1x1x128xi32, #tpu.memory_space<hbm>>
      %dma_wait3A_72 = tpu.memref_squeeze %dma_wait3A_71 : memref<1x1x128xi32, #tpu.memory_space<hbm>> -> memref<128xi32, #tpu.memory_space<hbm>>
      %dma_wait3A_73 = arith.constant 0 : i32
      %dma_wait3A_74 = tpu.memref_slice %arg4[%add3A, %run_scoped3A, %dma_wait3A_73] : memref<32x82x128xi32, #tpu.memory_space<hbm>> -> memref<1x1x128xi32, #tpu.memory_space<hbm>>
      %dma_wait3A_75 = tpu.memref_squeeze %dma_wait3A_74 : memref<1x1x128xi32, #tpu.memory_space<hbm>> -> memref<128xi32, #tpu.memory_space<hbm>>
      tpu.wait_dma2 semaphore(%run_scoped3A_63 : memref<!tpu.dma_semaphore, #tpu.memory_space<semaphore_mem>>) src(%dma_wait3A_75 : memref<128xi32, #tpu.memory_space<hbm>>) dst(%arg7 : memref<128xi32, #tpu.memory_space<vmem>>)
      tpu.yield
    }) : () -> ()
    %dma_start3A = arith.constant 1 : i32
    %dma_start3A_1 = arith.constant 0 : i32
    %dma_start3A_2 = tpu.memref_slice %arg4[%add3A, %dma_start3A, %dma_start3A_1] : memref<32x82x128xi32, #tpu.memory_space<hbm>> -> memref<1x1x128xi32, #tpu.memory_space<hbm>>
    %dma_start3A_3 = tpu.memref_squeeze %dma_start3A_2 : memref<1x1x128xi32, #tpu.memory_space<hbm>> -> memref<128xi32, #tpu.memory_space<hbm>>
    %dma_start3A_4 = arith.constant 0 : i32
    %dma_start3A_5 = tpu.memref_slice %arg4[%add3A, %dma_start3A, %dma_start3A_4] : memref<32x82x128xi32, #tpu.memory_space<hbm>> -> memref<1x1x128xi32, #tpu.memory_space<hbm>>
    %dma_start3A_6 = tpu.memref_squeeze %dma_start3A_5 : memref<1x1x128xi32, #tpu.memory_space<hbm>> -> memref<128xi32, #tpu.memory_space<hbm>>
    tpu.enqueue_dma source(%dma_start3A_6 : memref<128xi32, #tpu.memory_space<hbm>>) target(%arg8 : memref<128xi32, #tpu.memory_space<vmem>>) target_semaphore(%arg17 : memref<!tpu.dma_semaphore, #tpu.memory_space<semaphore_mem>>)
    %scan3A = arith.constant 0 : i32
    %scan3A_7 = arith.constant 0 : i32
    %scan3A_8 = arith.constant 128 : i32
    %scan3A_9 = arith.addi %scan3A_7, %scan3A_8 : i32
    %scan3A_10 = arith.constant 1 : i32
    %scan3A_11 = scf.for %scan3A_63 = %scan3A_7 to %scan3A_9 step %scan3A_10 iter_args(%scan3A_64 = %scan3A) -> (i32)  : i32 {
      %broadcast_in_dim3A = arith.constant 0.000000e+00 : f32
      %broadcast_in_dim3A_65 = vector.broadcast %broadcast_in_dim3A : f32 to vector<16xf32>
      %swap3A = arith.index_cast %scan3A_63 : i32 to index
      %swap3A_66 = arith.constant 0 : index
      %swap3A_67 = tpu.vector_load %arg9[%swap3A, %swap3A_66] {strides = array<i32>} : memref<128x128xf32, #tpu.memory_space<vmem>>, vector<1x16xf32>,
      %swap3A_68 = vector.shape_cast %swap3A_67 : vector<1x16xf32> to vector<16xf32>
      %swap3A_69 = vector.shape_cast %broadcast_in_dim3A_65 : vector<16xf32> to vector<1x16xf32>
      tpu.vector_store %arg9[%swap3A, %swap3A_66], %swap3A_69 {strides = array<i32>} : memref<128x128xf32, #tpu.memory_space<vmem>>, vector<1x16xf32>,
      %broadcast_in_dim3A_70 = arith.constant 0.000000e+00 : f32
      %broadcast_in_dim3A_71 = vector.broadcast %broadcast_in_dim3A_70 : f32 to vector<16xf32>
      %swap3A_72 = arith.index_cast %scan3A_63 : i32 to index
      %swap3A_73 = arith.constant 16 : index
      %swap3A_74 = tpu.vector_load %arg9[%swap3A_72, %swap3A_73] {strides = array<i32>} : memref<128x128xf32, #tpu.memory_space<vmem>>, vector<1x16xf32>,
      %swap3A_75 = vector.shape_cast %swap3A_74 : vector<1x16xf32> to vector<16xf32>
      %swap3A_76 = vector.shape_cast %broadcast_in_dim3A_71 : vector<16xf32> to vector<1x16xf32>
      tpu.vector_store %arg9[%swap3A_72, %swap3A_73], %swap3A_76 {strides = array<i32>} : memref<128x128xf32, #tpu.memory_space<vmem>>, vector<1x16xf32>,
      %broadcast_in_dim3A_77 = arith.constant 0.000000e+00 : f32
      %broadcast_in_dim3A_78 = vector.broadcast %broadcast_in_dim3A_77 : f32 to vector<16xf32>
      %swap3A_79 = arith.index_cast %scan3A_63 : i32 to index
      %swap3A_80 = arith.constant 32 : index
      %swap3A_81 = tpu.vector_load %arg9[%swap3A_79, %swap3A_80] {strides = array<i32>} : memref<128x128xf32, #tpu.memory_space<vmem>>, vector<1x16xf32>,
      %swap3A_82 = vector.shape_cast %swap3A_81 : vector<1x16xf32> to vector<16xf32>
      %swap3A_83 = vector.shape_cast %broadcast_in_dim3A_78 : vector<16xf32> to vector<1x16xf32>
      tpu.vector_store %arg9[%swap3A_79, %swap3A_80], %swap3A_83 {strides = array<i32>} : memref<128x128xf32, #tpu.memory_space<vmem>>, vector<1x16xf32>,
      %broadcast_in_dim3A_84 = arith.constant 0.000000e+00 : f32
      %broadcast_in_dim3A_85 = vector.broadcast %broadcast_in_dim3A_84 : f32 to vector<16xf32>
      %swap3A_86 = arith.index_cast %scan3A_63 : i32 to index
      %swap3A_87 = arith.constant 48 : index
      %swap3A_88 = tpu.vector_load %arg9[%swap3A_86, %swap3A_87] {strides = array<i32>} : memref<128x128xf32, #tpu.memory_space<vmem>>, vector<1x16xf32>,
      %swap3A_89 = vector.shape_cast %swap3A_88 : vector<1x16xf32> to vector<16xf32>
      %swap3A_90 = vector.shape_cast %broadcast_in_dim3A_85 : vector<16xf32> to vector<1x16xf32>
      tpu.vector_store %arg9[%swap3A_86, %swap3A_87], %swap3A_90 {strides = array<i32>} : memref<128x128xf32, #tpu.memory_space<vmem>>, vector<1x16xf32>,
      %broadcast_in_dim3A_91 = arith.constant 0.000000e+00 : f32
      %broadcast_in_dim3A_92 = vector.broadcast %broadcast_in_dim3A_91 : f32 to vector<16xf32>
      %swap3A_93 = arith.index_cast %scan3A_63 : i32 to index
      %swap3A_94 = arith.constant 64 : index
      %swap3A_95 = tpu.vector_load %arg9[%swap3A_93, %swap3A_94] {strides = array<i32>} : memref<128x128xf32, #tpu.memory_space<vmem>>, vector<1x16xf32>,
      %swap3A_96 = vector.shape_cast %swap3A_95 : vector<1x16xf32> to vector<16xf32>
      %swap3A_97 = vector.shape_cast %broadcast_in_dim3A_92 : vector<16xf32> to vector<1x16xf32>
      tpu.vector_store %arg9[%swap3A_93, %swap3A_94], %swap3A_97 {strides = array<i32>} : memref<128x128xf32, #tpu.memory_space<vmem>>, vector<1x16xf32>,
      %broadcast_in_dim3A_98 = arith.constant 0.000000e+00 : f32
      %broadcast_in_dim3A_99 = vector.broadcast %broadcast_in_dim3A_98 : f32 to vector<16xf32>
      %swap3A_100 = arith.index_cast %scan3A_63 : i32 to index
      %swap3A_101 = arith.constant 80 : index
      %swap3A_102 = tpu.vector_load %arg9[%swap3A_100, %swap3A_101] {strides = array<i32>} : memref<128x128xf32, #tpu.memory_space<vmem>>, vector<1x16xf32>,
      %swap3A_103 = vector.shape_cast %swap3A_102 : vector<1x16xf32> to vector<16xf32>
      %swap3A_104 = vector.shape_cast %broadcast_in_dim3A_99 : vector<16xf32> to vector<1x16xf32>
      tpu.vector_store %arg9[%swap3A_100, %swap3A_101], %swap3A_104 {strides = array<i32>} : memref<128x128xf32, #tpu.memory_space<vmem>>, vector<1x16xf32>,
      %broadcast_in_dim3A_105 = arith.constant 0.000000e+00 : f32
      %broadcast_in_dim3A_106 = vector.broadcast %broadcast_in_dim3A_105 : f32 to vector<16xf32>
      %swap3A_107 = arith.index_cast %scan3A_63 : i32 to index
      %swap3A_108 = arith.constant 96 : index
      %swap3A_109 = tpu.vector_load %arg9[%swap3A_107, %swap3A_108] {strides = array<i32>} : memref<128x128xf32, #tpu.memory_space<vmem>>, vector<1x16xf32>,
      %swap3A_110 = vector.shape_cast %swap3A_109 : vector<1x16xf32> to vector<16xf32>
      %swap3A_111 = vector.shape_cast %broadcast_in_dim3A_106 : vector<16xf32> to vector<1x16xf32>
      tpu.vector_store %arg9[%swap3A_107, %swap3A_108], %swap3A_111 {strides = array<i32>} : memref<128x128xf32, #tpu.memory_space<vmem>>, vector<1x16xf32>,
      %broadcast_in_dim3A_112 = arith.constant 0.000000e+00 : f32
      %broadcast_in_dim3A_113 = vector.broadcast %broadcast_in_dim3A_112 : f32 to vector<16xf32>
      %swap3A_114 = arith.index_cast %scan3A_63 : i32 to index
      %swap3A_115 = arith.constant 112 : index
      %swap3A_116 = tpu.vector_load %arg9[%swap3A_114, %swap3A_115] {strides = array<i32>} : memref<128x128xf32, #tpu.memory_space<vmem>>, vector<1x16xf32>,
      %swap3A_117 = vector.shape_cast %swap3A_116 : vector<1x16xf32> to vector<16xf32>
      %swap3A_118 = vector.shape_cast %broadcast_in_dim3A_113 : vector<16xf32> to vector<1x16xf32>
      tpu.vector_store %arg9[%swap3A_114, %swap3A_115], %swap3A_118 {strides = array<i32>} : memref<128x128xf32, #tpu.memory_space<vmem>>, vector<1x16xf32>,
      %scan3A_119 = arith.constant 0 : i32
      scf.yield %scan3A_119 : i32
    }
    %scan3A_12 = arith.constant 128 : i32
    %mul3A_13 = arith.constant 640 : i32
    %mul3A_14 = arith.muli %arg1, %mul3A_13 : i32
    %add3A_15 = arith.constant 0 : i32
    %add3A_16 = arith.addi %mul3A_14, %add3A_15 : i32
    "tpu.region"() ({
      %run_scoped3A_63 = tpu.sem_alloc : memref<!tpu.dma_semaphore, #tpu.memory_space<semaphore_mem>>
      %dma_start3A_64 = arith.constant 0 : i32
      %dma_start3A_65 = tpu.memref_slice %arg11[%add3A_16, %dma_start3A_64] : memref<10240x128xf32, #tpu.memory_space<vmem_shared>> -> memref<128x128xf32, #tpu.memory_space<vmem_shared>>
      %dma_start3A_66 = arith.constant 0 : i32
      %dma_start3A_67 = tpu.memref_slice %arg11[%add3A_16, %dma_start3A_66] : memref<10240x128xf32, #tpu.memory_space<vmem_shared>> -> memref<128x128xf32, #tpu.memory_space<vmem_shared>>
      tpu.enqueue_dma source(%arg9 : memref<128x128xf32, #tpu.memory_space<vmem>>) target(%dma_start3A_67 : memref<128x128xf32, #tpu.memory_space<vmem_shared>>) target_semaphore(%run_scoped3A_63 : memref<!tpu.dma_semaphore, #tpu.memory_space<semaphore_mem>>)
      %dma_wait3A_68 = arith.constant 0 : i32
      %dma_wait3A_69 = tpu.memref_slice %arg11[%add3A_16, %dma_wait3A_68] : memref<10240x128xf32, #tpu.memory_space<vmem_shared>> -> memref<128x128xf32, #tpu.memory_space<vmem_shared>>
      %dma_wait3A_70 = arith.constant 0 : i32
      %dma_wait3A_71 = tpu.memref_slice %arg11[%add3A_16, %dma_wait3A_70] : memref<10240x128xf32, #tpu.memory_space<vmem_shared>> -> memref<128x128xf32, #tpu.memory_space<vmem_shared>>
      tpu.wait_dma2 semaphore(%run_scoped3A_63 : memref<!tpu.dma_semaphore, #tpu.memory_space<semaphore_mem>>) src(%arg9 : memref<128x128xf32, #tpu.memory_space<vmem>>) dst(%dma_wait3A_71 : memref<128x128xf32, #tpu.memory_space<vmem_shared>>)
      tpu.yield
    }) : () -> ()
    %mul3A_17 = arith.constant 640 : i32
    %mul3A_18 = arith.muli %arg1, %mul3A_17 : i32
    %add3A_19 = arith.constant 128 : i32
    %add3A_20 = arith.addi %mul3A_18, %add3A_19 : i32
    "tpu.region"() ({
      %run_scoped3A_63 = tpu.sem_alloc : memref<!tpu.dma_semaphore, #tpu.memory_space<semaphore_mem>>
      %dma_start3A_64 = arith.constant 0 : i32
      %dma_start3A_65 = tpu.memref_slice %arg11[%add3A_20, %dma_start3A_64] : memref<10240x128xf32, #tpu.memory_space<vmem_shared>> -> memref<128x128xf32, #tpu.memory_space<vmem_shared>>
      %dma_start3A_66 = arith.constant 0 : i32
      %dma_start3A_67 = tpu.memref_slice %arg11[%add3A_20, %dma_start3A_66] : memref<10240x128xf32, #tpu.memory_space<vmem_shared>> -> memref<128x128xf32, #tpu.memory_space<vmem_shared>>
      tpu.enqueue_dma source(%arg9 : memref<128x128xf32, #tpu.memory_space<vmem>>) target(%dma_start3A_67 : memref<128x128xf32, #tpu.memory_space<vmem_shared>>) target_semaphore(%run_scoped3A_63 : memref<!tpu.dma_semaphore, #tpu.memory_space<semaphore_mem>>)
      %dma_wait3A_68 = arith.constant 0 : i32
      %dma_wait3A_69 = tpu.memref_slice %arg11[%add3A_20, %dma_wait3A_68] : memref<10240x128xf32, #tpu.memory_space<vmem_shared>> -> memref<128x128xf32, #tpu.memory_space<vmem_shared>>
      %dma_wait3A_70 = arith.constant 0 : i32
      %dma_wait3A_71 = tpu.memref_slice %arg11[%add3A_20, %dma_wait3A_70] : memref<10240x128xf32, #tpu.memory_space<vmem_shared>> -> memref<128x128xf32, #tpu.memory_space<vmem_shared>>
      tpu.wait_dma2 semaphore(%run_scoped3A_63 : memref<!tpu.dma_semaphore, #tpu.memory_space<semaphore_mem>>) src(%arg9 : memref<128x128xf32, #tpu.memory_space<vmem>>) dst(%dma_wait3A_71 : memref<128x128xf32, #tpu.memory_space<vmem_shared>>)
      tpu.yield
    }) : () -> ()
    %mul3A_21 = arith.constant 640 : i32
    %mul3A_22 = arith.muli %arg1, %mul3A_21 : i32
    %add3A_23 = arith.constant 256 : i32
    %add3A_24 = arith.addi %mul3A_22, %add3A_23 : i32
    "tpu.region"() ({
      %run_scoped3A_63 = tpu.sem_alloc : memref<!tpu.dma_semaphore, #tpu.memory_space<semaphore_mem>>
      %dma_start3A_64 = arith.constant 0 : i32
      %dma_start3A_65 = tpu.memref_slice %arg11[%add3A_24, %dma_start3A_64] : memref<10240x128xf32, #tpu.memory_space<vmem_shared>> -> memref<128x128xf32, #tpu.memory_space<vmem_shared>>
      %dma_start3A_66 = arith.constant 0 : i32
      %dma_start3A_67 = tpu.memref_slice %arg11[%add3A_24, %dma_start3A_66] : memref<10240x128xf32, #tpu.memory_space<vmem_shared>> -> memref<128x128xf32, #tpu.memory_space<vmem_shared>>
      tpu.enqueue_dma source(%arg9 : memref<128x128xf32, #tpu.memory_space<vmem>>) target(%dma_start3A_67 : memref<128x128xf32, #tpu.memory_space<vmem_shared>>) target_semaphore(%run_scoped3A_63 : memref<!tpu.dma_semaphore, #tpu.memory_space<semaphore_mem>>)
      %dma_wait3A_68 = arith.constant 0 : i32
      %dma_wait3A_69 = tpu.memref_slice %arg11[%add3A_24, %dma_wait3A_68] : memref<10240x128xf32, #tpu.memory_space<vmem_shared>> -> memref<128x128xf32, #tpu.memory_space<vmem_shared>>
      %dma_wait3A_70 = arith.constant 0 : i32
      %dma_wait3A_71 = tpu.memref_slice %arg11[%add3A_24, %dma_wait3A_70] : memref<10240x128xf32, #tpu.memory_space<vmem_shared>> -> memref<128x128xf32, #tpu.memory_space<vmem_shared>>
      tpu.wait_dma2 semaphore(%run_scoped3A_63 : memref<!tpu.dma_semaphore, #tpu.memory_space<semaphore_mem>>) src(%arg9 : memref<128x128xf32, #tpu.memory_space<vmem>>) dst(%dma_wait3A_71 : memref<128x128xf32, #tpu.memory_space<vmem_shared>>)
      tpu.yield
    }) : () -> ()
    %mul3A_25 = arith.constant 640 : i32
    %mul3A_26 = arith.muli %arg1, %mul3A_25 : i32
    %add3A_27 = arith.constant 384 : i32
    %add3A_28 = arith.addi %mul3A_26, %add3A_27 : i32
    "tpu.region"() ({
      %run_scoped3A_63 = tpu.sem_alloc : memref<!tpu.dma_semaphore, #tpu.memory_space<semaphore_mem>>
      %dma_start3A_64 = arith.constant 0 : i32
      %dma_start3A_65 = tpu.memref_slice %arg11[%add3A_28, %dma_start3A_64] : memref<10240x128xf32, #tpu.memory_space<vmem_shared>> -> memref<128x128xf32, #tpu.memory_space<vmem_shared>>
      %dma_start3A_66 = arith.constant 0 : i32
      %dma_start3A_67 = tpu.memref_slice %arg11[%add3A_28, %dma_start3A_66] : memref<10240x128xf32, #tpu.memory_space<vmem_shared>> -> memref<128x128xf32, #tpu.memory_space<vmem_shared>>
      tpu.enqueue_dma source(%arg9 : memref<128x128xf32, #tpu.memory_space<vmem>>) target(%dma_start3A_67 : memref<128x128xf32, #tpu.memory_space<vmem_shared>>) target_semaphore(%run_scoped3A_63 : memref<!tpu.dma_semaphore, #tpu.memory_space<semaphore_mem>>)
      %dma_wait3A_68 = arith.constant 0 : i32
      %dma_wait3A_69 = tpu.memref_slice %arg11[%add3A_28, %dma_wait3A_68] : memref<10240x128xf32, #tpu.memory_space<vmem_shared>> -> memref<128x128xf32, #tpu.memory_space<vmem_shared>>
      %dma_wait3A_70 = arith.constant 0 : i32
      %dma_wait3A_71 = tpu.memref_slice %arg11[%add3A_28, %dma_wait3A_70] : memref<10240x128xf32, #tpu.memory_space<vmem_shared>> -> memref<128x128xf32, #tpu.memory_space<vmem_shared>>
      tpu.wait_dma2 semaphore(%run_scoped3A_63 : memref<!tpu.dma_semaphore, #tpu.memory_space<semaphore_mem>>) src(%arg9 : memref<128x128xf32, #tpu.memory_space<vmem>>) dst(%dma_wait3A_71 : memref<128x128xf32, #tpu.memory_space<vmem_shared>>)
      tpu.yield
    }) : () -> ()
    %mul3A_29 = arith.constant 640 : i32
    %mul3A_30 = arith.muli %arg1, %mul3A_29 : i32
    %add3A_31 = arith.constant 512 : i32
    %add3A_32 = arith.addi %mul3A_30, %add3A_31 : i32
    "tpu.region"() ({
      %run_scoped3A_63 = tpu.sem_alloc : memref<!tpu.dma_semaphore, #tpu.memory_space<semaphore_mem>>
      %dma_start3A_64 = arith.constant 0 : i32
      %dma_start3A_65 = tpu.memref_slice %arg11[%add3A_32, %dma_start3A_64] : memref<10240x128xf32, #tpu.memory_space<vmem_shared>> -> memref<128x128xf32, #tpu.memory_space<vmem_shared>>
      %dma_start3A_66 = arith.constant 0 : i32
      %dma_start3A_67 = tpu.memref_slice %arg11[%add3A_32, %dma_start3A_66] : memref<10240x128xf32, #tpu.memory_space<vmem_shared>> -> memref<128x128xf32, #tpu.memory_space<vmem_shared>>
      tpu.enqueue_dma source(%arg9 : memref<128x128xf32, #tpu.memory_space<vmem>>) target(%dma_start3A_67 : memref<128x128xf32, #tpu.memory_space<vmem_shared>>) target_semaphore(%run_scoped3A_63 : memref<!tpu.dma_semaphore, #tpu.memory_space<semaphore_mem>>)
      %dma_wait3A_68 = arith.constant 0 : i32
      %dma_wait3A_69 = tpu.memref_slice %arg11[%add3A_32, %dma_wait3A_68] : memref<10240x128xf32, #tpu.memory_space<vmem_shared>> -> memref<128x128xf32, #tpu.memory_space<vmem_shared>>
      %dma_wait3A_70 = arith.constant 0 : i32
      %dma_wait3A_71 = tpu.memref_slice %arg11[%add3A_32, %dma_wait3A_70] : memref<10240x128xf32, #tpu.memory_space<vmem_shared>> -> memref<128x128xf32, #tpu.memory_space<vmem_shared>>
      tpu.wait_dma2 semaphore(%run_scoped3A_63 : memref<!tpu.dma_semaphore, #tpu.memory_space<semaphore_mem>>) src(%arg9 : memref<128x128xf32, #tpu.memory_space<vmem>>) dst(%dma_wait3A_71 : memref<128x128xf32, #tpu.memory_space<vmem_shared>>)
      tpu.yield
    }) : () -> ()
    %barrier3A = arith.constant 0 : index
    tpu.barrier barrier_id(%barrier3A)
    %dma_start3A_33 = arith.constant 0 : i32
    %dma_start3A_34 = arith.constant 0 : i32
    %dma_start3A_35 = tpu.memref_slice %arg6[%dma_start3A_33, %dma_start3A_34] : memref<81x128xi32, #tpu.memory_space<vmem>> -> memref<1x128xi32, #tpu.memory_space<vmem>>
    %dma_start3A_36 = tpu.memref_squeeze %dma_start3A_35 : memref<1x128xi32, #tpu.memory_space<vmem>> -> memref<128xi32, #tpu.memory_space<vmem>>
    %dma_start3A_37 = arith.constant 0 : i32
    %dma_start3A_38 = arith.constant 0 : i32
    %dma_start3A_39 = tpu.memref_slice %arg2[%dma_start3A_37, %dma_start3A_38] : memref<10240x128xf32, #tpu.memory_space<hbm>> -> memref<10240x128xf32, #tpu.memory_space<hbm>>
    tpu.enqueue_indirect_dma source(%dma_start3A_39 : memref<10240x128xf32, #tpu.memory_space<hbm>>) target(%arg9 : memref<128x128xf32, #tpu.memory_space<vmem>>) offsets(%dma_start3A_36 : memref<128xi32, #tpu.memory_space<vmem>>) semaphore(%arg12 : memref<!tpu.dma_semaphore, #tpu.memory_space<semaphore_mem>>)
    %scan3A_40 = arith.constant 0 : i32
    %scan3A_41 = arith.constant 0 : i32
    %scan3A_42 = arith.constant 40 : i32
    %scan3A_43 = arith.addi %scan3A_41, %scan3A_42 : i32
    %scan3A_44 = arith.constant 1 : i32
    %scan3A_45 = scf.for %scan3A_63 = %scan3A_41 to %scan3A_43 step %scan3A_44 iter_args(%scan3A_64 = %scan3A_40) -> (i32)  : i32 {
      %mul3A_65 = arith.constant 2 : i32
      %mul3A_66 = arith.muli %mul3A_65, %scan3A_63 : i32
      %dma_wait3A_67 = arith.constant 0 : i32
      %dma_wait3A_68 = arith.constant 0 : i32
      %dma_wait3A_69 = tpu.memref_slice %arg6[%dma_wait3A_67, %dma_wait3A_68] : memref<81x128xi32, #tpu.memory_space<vmem>> -> memref<1x128xi32, #tpu.memory_space<vmem>>
      %dma_wait3A_70 = tpu.memref_squeeze %dma_wait3A_69 : memref<1x128xi32, #tpu.memory_space<vmem>> -> memref<128xi32, #tpu.memory_space<vmem>>
      %dma_wait3A_71 = arith.constant 0 : i32
      %dma_wait3A_72 = arith.constant 0 : i32
      %dma_wait3A_73 = tpu.memref_slice %arg2[%dma_wait3A_71, %dma_wait3A_72] : memref<10240x128xf32, #tpu.memory_space<hbm>> -> memref<10240x128xf32, #tpu.memory_space<hbm>>
      tpu.wait_indirect_dma semaphore(%arg12 : memref<!tpu.dma_semaphore, #tpu.memory_space<semaphore_mem>>) src(%dma_wait3A_73 : memref<10240x128xf32, #tpu.memory_space<hbm>>) dst(%arg9 : memref<128x128xf32, #tpu.memory_space<vmem>>)
      %add3A_74 = arith.constant 1 : i32
      %add3A_75 = arith.addi %mul3A_66, %add3A_74 : i32
      %dma_start3A_76 = arith.constant 0 : i32
      %dma_start3A_77 = tpu.memref_slice %arg6[%add3A_75, %dma_start3A_76] : memref<81x128xi32, #tpu.memory_space<vmem>> -> memref<1x128xi32, #tpu.memory_space<vmem>>
      %dma_start3A_78 = tpu.memref_squeeze %dma_start3A_77 : memref<1x128xi32, #tpu.memory_space<vmem>> -> memref<128xi32, #tpu.memory_space<vmem>>
      %dma_start3A_79 = arith.constant 0 : i32
      %dma_start3A_80 = arith.constant 0 : i32
      %dma_start3A_81 = tpu.memref_slice %arg2[%dma_start3A_79, %dma_start3A_80] : memref<10240x128xf32, #tpu.memory_space<hbm>> -> memref<10240x128xf32, #tpu.memory_space<hbm>>
      tpu.enqueue_indirect_dma source(%dma_start3A_81 : memref<10240x128xf32, #tpu.memory_space<hbm>>) target(%arg10 : memref<128x128xf32, #tpu.memory_space<vmem>>) offsets(%dma_start3A_78 : memref<128xi32, #tpu.memory_space<vmem>>) semaphore(%arg13 : memref<!tpu.dma_semaphore, #tpu.memory_space<semaphore_mem>>)
      %dma_start3A_82 = arith.constant 0 : i32
      %dma_start3A_83 = arith.constant 0 : i32
      %dma_start3A_84 = tpu.memref_slice %arg11[%dma_start3A_82, %dma_start3A_83] : memref<10240x128xf32, #tpu.memory_space<vmem_shared>> -> memref<10240x128xf32, #tpu.memory_space<vmem_shared>>
      tpu.enqueue_indirect_dma source(%arg9 : memref<128x128xf32, #tpu.memory_space<vmem>>) target(%dma_start3A_84 : memref<10240x128xf32, #tpu.memory_space<vmem_shared>>) offsets(%arg7 : memref<128xi32, #tpu.memory_space<vmem>>) semaphore(%arg14 : memref<!tpu.dma_semaphore, #tpu.memory_space<semaphore_mem>>) {add = true}
      %dma_wait3A_85 = arith.constant 0 : i32
      %dma_wait3A_86 = arith.constant 0 : i32
      %dma_wait3A_87 = tpu.memref_slice %arg4[%add3A, %dma_wait3A_85, %dma_wait3A_86] : memref<32x82x128xi32, #tpu.memory_space<hbm>> -> memref<1x1x128xi32, #tpu.memory_space<hbm>>
      %dma_wait3A_88 = tpu.memref_squeeze %dma_wait3A_87 : memref<1x1x128xi32, #tpu.memory_space<hbm>> -> memref<128xi32, #tpu.memory_space<hbm>>
      %dma_wait3A_89 = arith.constant 0 : i32
      %dma_wait3A_90 = tpu.memref_slice %arg4[%add3A, %dma_wait3A_85, %dma_wait3A_89] : memref<32x82x128xi32, #tpu.memory_space<hbm>> -> memref<1x1x128xi32, #tpu.memory_space<hbm>>
      %dma_wait3A_91 = tpu.memref_squeeze %dma_wait3A_90 : memref<1x1x128xi32, #tpu.memory_space<hbm>> -> memref<128xi32, #tpu.memory_space<hbm>>
      tpu.wait_dma2 semaphore(%arg17 : memref<!tpu.dma_semaphore, #tpu.memory_space<semaphore_mem>>) src(%dma_wait3A_91 : memref<128xi32, #tpu.memory_space<hbm>>) dst(%arg8 : memref<128xi32, #tpu.memory_space<vmem>>)
      %dma_wait3A_92 = arith.constant 0 : i32
      %dma_wait3A_93 = arith.constant 0 : i32
      %dma_wait3A_94 = tpu.memref_slice %arg6[%dma_wait3A_92, %dma_wait3A_93] : memref<81x128xi32, #tpu.memory_space<vmem>> -> memref<1x128xi32, #tpu.memory_space<vmem>>
      %dma_wait3A_95 = tpu.memref_squeeze %dma_wait3A_94 : memref<1x128xi32, #tpu.memory_space<vmem>> -> memref<128xi32, #tpu.memory_space<vmem>>
      %dma_wait3A_96 = arith.constant 0 : i32
      %dma_wait3A_97 = arith.constant 0 : i32
      %dma_wait3A_98 = tpu.memref_slice %arg2[%dma_wait3A_96, %dma_wait3A_97] : memref<10240x128xf32, #tpu.memory_space<hbm>> -> memref<10240x128xf32, #tpu.memory_space<hbm>>
      tpu.wait_indirect_dma semaphore(%arg13 : memref<!tpu.dma_semaphore, #tpu.memory_space<semaphore_mem>>) src(%dma_wait3A_98 : memref<10240x128xf32, #tpu.memory_space<hbm>>) dst(%arg10 : memref<128x128xf32, #tpu.memory_space<vmem>>)
      %dma_wait3A_99 = arith.constant 0 : i32
      %dma_wait3A_100 = arith.constant 0 : i32
      %dma_wait3A_101 = tpu.memref_slice %arg11[%dma_wait3A_99, %dma_wait3A_100] : memref<10240x128xf32, #tpu.memory_space<vmem_shared>> -> memref<10240x128xf32, #tpu.memory_space<vmem_shared>>
      tpu.wait_indirect_dma semaphore(%arg14 : memref<!tpu.dma_semaphore, #tpu.memory_space<semaphore_mem>>) src(%arg9 : memref<128x128xf32, #tpu.memory_space<vmem>>) dst(%dma_wait3A_101 : memref<10240x128xf32, #tpu.memory_space<vmem_shared>>)
      %add3A_102 = arith.constant 2 : i32
      %add3A_103 = arith.addi %mul3A_66, %add3A_102 : i32
      %dma_start3A_104 = arith.constant 0 : i32
      %dma_start3A_105 = tpu.memref_slice %arg4[%add3A, %add3A_103, %dma_start3A_104] : memref<32x82x128xi32, #tpu.memory_space<hbm>> -> memref<1x1x128xi32, #tpu.memory_space<hbm>>
      %dma_start3A_106 = tpu.memref_squeeze %dma_start3A_105 : memref<1x1x128xi32, #tpu.memory_space<hbm>> -> memref<128xi32, #tpu.memory_space<hbm>>
      %dma_start3A_107 = arith.constant 0 : i32
      %dma_start3A_108 = tpu.memref_slice %arg4[%add3A, %add3A_103, %dma_start3A_107] : memref<32x82x128xi32, #tpu.memory_space<hbm>> -> memref<1x1x128xi32, #tpu.memory_space<hbm>>
      %dma_start3A_109 = tpu.memref_squeeze %dma_start3A_108 : memref<1x1x128xi32, #tpu.memory_space<hbm>> -> memref<128xi32, #tpu.memory_space<hbm>>
      tpu.enqueue_dma source(%dma_start3A_109 : memref<128xi32, #tpu.memory_space<hbm>>) target(%arg7 : memref<128xi32, #tpu.memory_space<vmem>>) target_semaphore(%arg16 : memref<!tpu.dma_semaphore, #tpu.memory_space<semaphore_mem>>)
      %add3A_110 = arith.constant 2 : i32
      %add3A_111 = arith.addi %mul3A_66, %add3A_110 : i32
      %dma_start3A_112 = arith.constant 0 : i32
      %dma_start3A_113 = tpu.memref_slice %arg6[%add3A_111, %dma_start3A_112] : memref<81x128xi32, #tpu.memory_space<vmem>> -> memref<1x128xi32, #tpu.memory_space<vmem>>
      %dma_start3A_114 = tpu.memref_squeeze %dma_start3A_113 : memref<1x128xi32, #tpu.memory_space<vmem>> -> memref<128xi32, #tpu.memory_space<vmem>>
      %dma_start3A_115 = arith.constant 0 : i32
      %dma_start3A_116 = arith.constant 0 : i32
      %dma_start3A_117 = tpu.memref_slice %arg2[%dma_start3A_115, %dma_start3A_116] : memref<10240x128xf32, #tpu.memory_space<hbm>> -> memref<10240x128xf32, #tpu.memory_space<hbm>>
      tpu.enqueue_indirect_dma source(%dma_start3A_117 : memref<10240x128xf32, #tpu.memory_space<hbm>>) target(%arg9 : memref<128x128xf32, #tpu.memory_space<vmem>>) offsets(%dma_start3A_114 : memref<128xi32, #tpu.memory_space<vmem>>) semaphore(%arg12 : memref<!tpu.dma_semaphore, #tpu.memory_space<semaphore_mem>>)
      %dma_start3A_118 = arith.constant 0 : i32
      %dma_start3A_119 = arith.constant 0 : i32
      %dma_start3A_120 = tpu.memref_slice %arg11[%dma_start3A_118, %dma_start3A_119] : memref<10240x128xf32, #tpu.memory_space<vmem_shared>> -> memref<10240x128xf32, #tpu.memory_space<vmem_shared>>
      tpu.enqueue_indirect_dma source(%arg10 : memref<128x128xf32, #tpu.memory_space<vmem>>) target(%dma_start3A_120 : memref<10240x128xf32, #tpu.memory_space<vmem_shared>>) offsets(%arg8 : memref<128xi32, #tpu.memory_space<vmem>>) semaphore(%arg15 : memref<!tpu.dma_semaphore, #tpu.memory_space<semaphore_mem>>) {add = true}
      %dma_wait3A_121 = arith.constant 0 : i32
      %dma_wait3A_122 = arith.constant 0 : i32
      %dma_wait3A_123 = tpu.memref_slice %arg11[%dma_wait3A_121, %dma_wait3A_122] : memref<10240x128xf32, #tpu.memory_space<vmem_shared>> -> memref<10240x128xf32, #tpu.memory_space<vmem_shared>>
      tpu.wait_indirect_dma semaphore(%arg15 : memref<!tpu.dma_semaphore, #tpu.memory_space<semaphore_mem>>) src(%arg10 : memref<128x128xf32, #tpu.memory_space<vmem>>) dst(%dma_wait3A_123 : memref<10240x128xf32, #tpu.memory_space<vmem_shared>>)
      %add3A_124 = arith.constant 3 : i32
      %add3A_125 = arith.addi %mul3A_66, %add3A_124 : i32
      %dma_start3A_126 = arith.constant 0 : i32
      %dma_start3A_127 = tpu.memref_slice %arg4[%add3A, %add3A_125, %dma_start3A_126] : memref<32x82x128xi32, #tpu.memory_space<hbm>> -> memref<1x1x128xi32, #tpu.memory_space<hbm>>
      %dma_start3A_128 = tpu.memref_squeeze %dma_start3A_127 : memref<1x1x128xi32, #tpu.memory_space<hbm>> -> memref<128xi32, #tpu.memory_space<hbm>>
      %dma_start3A_129 = arith.constant 0 : i32
      %dma_start3A_130 = tpu.memref_slice %arg4[%add3A, %add3A_125, %dma_start3A_129] : memref<32x82x128xi32, #tpu.memory_space<hbm>> -> memref<1x1x128xi32, #tpu.memory_space<hbm>>
      %dma_start3A_131 = tpu.memref_squeeze %dma_start3A_130 : memref<1x1x128xi32, #tpu.memory_space<hbm>> -> memref<128xi32, #tpu.memory_space<hbm>>
      tpu.enqueue_dma source(%dma_start3A_131 : memref<128xi32, #tpu.memory_space<hbm>>) target(%arg8 : memref<128xi32, #tpu.memory_space<vmem>>) target_semaphore(%arg17 : memref<!tpu.dma_semaphore, #tpu.memory_space<semaphore_mem>>)
      %dma_wait3A_132 = arith.constant 0 : i32
      %dma_wait3A_133 = arith.constant 0 : i32
      %dma_wait3A_134 = tpu.memref_slice %arg4[%add3A, %dma_wait3A_132, %dma_wait3A_133] : memref<32x82x128xi32, #tpu.memory_space<hbm>> -> memref<1x1x128xi32, #tpu.memory_space<hbm>>
      %dma_wait3A_135 = tpu.memref_squeeze %dma_wait3A_134 : memref<1x1x128xi32, #tpu.memory_space<hbm>> -> memref<128xi32, #tpu.memory_space<hbm>>
      %dma_wait3A_136 = arith.constant 0 : i32
      %dma_wait3A_137 = tpu.memref_slice %arg4[%add3A, %dma_wait3A_132, %dma_wait3A_136] : memref<32x82x128xi32, #tpu.memory_space<hbm>> -> memref<1x1x128xi32, #tpu.memory_space<hbm>>
      %dma_wait3A_138 = tpu.memref_squeeze %dma_wait3A_137 : memref<1x1x128xi32, #tpu.memory_space<hbm>> -> memref<128xi32, #tpu.memory_space<hbm>>
      tpu.wait_dma2 semaphore(%arg16 : memref<!tpu.dma_semaphore, #tpu.memory_space<semaphore_mem>>) src(%dma_wait3A_138 : memref<128xi32, #tpu.memory_space<hbm>>) dst(%arg7 : memref<128xi32, #tpu.memory_space<vmem>>)
      %scan3A_139 = arith.constant 0 : i32
      scf.yield %scan3A_139 : i32
    }
    %scan3A_46 = arith.constant 40 : i32
    %dma_wait3A = arith.constant 0 : i32
    %dma_wait3A_47 = arith.constant 0 : i32
    %dma_wait3A_48 = tpu.memref_slice %arg6[%dma_wait3A, %dma_wait3A_47] : memref<81x128xi32, #tpu.memory_space<vmem>> -> memref<1x128xi32, #tpu.memory_space<vmem>>
    %dma_wait3A_49 = tpu.memref_squeeze %dma_wait3A_48 : memref<1x128xi32, #tpu.memory_space<vmem>> -> memref<128xi32, #tpu.memory_space<vmem>>
    %dma_wait3A_50 = arith.constant 0 : i32
    %dma_wait3A_51 = arith.constant 0 : i32
    %dma_wait3A_52 = tpu.memref_slice %arg2[%dma_wait3A_50, %dma_wait3A_51] : memref<10240x128xf32, #tpu.memory_space<hbm>> -> memref<10240x128xf32, #tpu.memory_space<hbm>>
    tpu.wait_indirect_dma semaphore(%arg12 : memref<!tpu.dma_semaphore, #tpu.memory_space<semaphore_mem>>) src(%dma_wait3A_52 : memref<10240x128xf32, #tpu.memory_space<hbm>>) dst(%arg9 : memref<128x128xf32, #tpu.memory_space<vmem>>)
    %dma_wait3A_53 = arith.constant 0 : i32
    %dma_wait3A_54 = arith.constant 0 : i32
    %dma_wait3A_55 = tpu.memref_slice %arg4[%add3A, %dma_wait3A_53, %dma_wait3A_54] : memref<32x82x128xi32, #tpu.memory_space<hbm>> -> memref<1x1x128xi32, #tpu.memory_space<hbm>>
    %dma_wait3A_56 = tpu.memref_squeeze %dma_wait3A_55 : memref<1x1x128xi32, #tpu.memory_space<hbm>> -> memref<128xi32, #tpu.memory_space<hbm>>
    %dma_wait3A_57 = arith.constant 0 : i32
    %dma_wait3A_58 = tpu.memref_slice %arg4[%add3A, %dma_wait3A_53, %dma_wait3A_57] : memref<32x82x128xi32, #tpu.memory_space<hbm>> -> memref<1x1x128xi32, #tpu.memory_space<hbm>>
    %dma_wait3A_59 = tpu.memref_squeeze %dma_wait3A_58 : memref<1x1x128xi32, #tpu.memory_space<hbm>> -> memref<128xi32, #tpu.memory_space<hbm>>
    tpu.wait_dma2 semaphore(%arg17 : memref<!tpu.dma_semaphore, #tpu.memory_space<semaphore_mem>>) src(%dma_wait3A_59 : memref<128xi32, #tpu.memory_space<hbm>>) dst(%arg8 : memref<128xi32, #tpu.memory_space<vmem>>)
    %barrier3A_60 = arith.constant 0 : index
    tpu.barrier barrier_id(%barrier3A_60)
    %mul3A_61 = arith.constant 640 : i32
    %mul3A_62 = arith.muli %arg1, %mul3A_61 : i32
    "tpu.region"() ({
      %run_scoped3A_63 = tpu.sem_alloc : memref<!tpu.dma_semaphore, #tpu.memory_space<semaphore_mem>>
      %dma_start3A_64 = arith.constant 0 : i32
      %dma_start3A_65 = tpu.memref_slice %arg5[%arg0, %mul3A_62, %dma_start3A_64] : memref<2x10240x128xf32, #tpu.memory_space<hbm>> -> memref<1x640x128xf32, #tpu.memory_space<hbm>>
      %dma_start3A_66 = tpu.memref_squeeze %dma_start3A_65 : memref<1x640x128xf32, #tpu.memory_space<hbm>> -> memref<640x128xf32, #tpu.memory_space<hbm>>
      %dma_start3A_67 = arith.constant 0 : i32
      %dma_start3A_68 = tpu.memref_slice %arg11[%mul3A_62, %dma_start3A_67] : memref<10240x128xf32, #tpu.memory_space<vmem_shared>> -> memref<640x128xf32, #tpu.memory_space<vmem_shared>>
      tpu.enqueue_dma source(%dma_start3A_68 : memref<640x128xf32, #tpu.memory_space<vmem_shared>>) target(%dma_start3A_66 : memref<640x128xf32, #tpu.memory_space<hbm>>) target_semaphore(%run_scoped3A_63 : memref<!tpu.dma_semaphore, #tpu.memory_space<semaphore_mem>>)
      %dma_wait3A_69 = arith.constant 0 : i32
      %dma_wait3A_70 = tpu.memref_slice %arg5[%arg0, %mul3A_62, %dma_wait3A_69] : memref<2x10240x128xf32, #tpu.memory_space<hbm>> -> memref<1x640x128xf32, #tpu.memory_space<hbm>>
      %dma_wait3A_71 = tpu.memref_squeeze %dma_wait3A_70 : memref<1x640x128xf32, #tpu.memory_space<hbm>> -> memref<640x128xf32, #tpu.memory_space<hbm>>
      %dma_wait3A_72 = arith.constant 0 : i32
      %dma_wait3A_73 = tpu.memref_slice %arg11[%mul3A_62, %dma_wait3A_72] : memref<10240x128xf32, #tpu.memory_space<vmem_shared>> -> memref<640x128xf32, #tpu.memory_space<vmem_shared>>
      tpu.wait_dma2 semaphore(%run_scoped3A_63 : memref<!tpu.dma_semaphore, #tpu.memory_space<semaphore_mem>>) src(%dma_wait3A_73 : memref<640x128xf32, #tpu.memory_space<vmem_shared>>) dst(%dma_wait3A_71 : memref<640x128xf32, #tpu.memory_space<hbm>>)
      tpu.yield
    }) : () -> ()
    return
  }
}

#map = affine_map<(d0, d1) -> (0, 0, 0)>
#map1 = affine_map<(d0, d1) -> (0, 0)>
module attributes {stable_mosaic.version = 14 : i64} {
  func.func @_sc_degree(%arg0: i32, %arg1: i32, %arg2: memref<32x82x128xi32, #tpu.memory_space<hbm>>, %arg3: memref<2x10240xf32, #tpu.memory_space<hbm>>, %arg4: memref<80x128xi32, #tpu.memory_space<vmem>>, %arg5: memref<128xf32, #tpu.memory_space<vmem>>, %arg6: memref<640xf32, #tpu.memory_space<vmem>>, %arg7: memref<10240xf32, #tpu.memory_space<vmem_shared>>, %arg8: memref<!tpu.dma_semaphore, #tpu.memory_space<semaphore_mem>>) attributes {dimension_semantics = [#tpu.dimension_semantics<core_parallel>, #tpu.dimension_semantics<subcore_parallel>], iteration_bounds = array<i64: 2, 16>, scalar_prefetch = 0 : i64, scratch_operands = 5 : i64, tpu.core_type = #tpu.core_type<sc_vector_subcore>, window_params = [{transform_indices = #map}, {transform_indices = #map1}]} {
    %mul3A = arith.constant 2 : i32
    %mul3A_0 = arith.muli %arg1, %mul3A : i32
    %add3A = arith.addi %mul3A_0, %arg0 : i32
    "tpu.region"() ({
      %run_scoped3A = tpu.sem_alloc : memref<!tpu.dma_semaphore, #tpu.memory_space<semaphore_mem>>
      %dma_start3A = arith.constant 0 : i32
      %dma_start3A_72 = arith.constant 0 : i32
      %dma_start3A_73 = tpu.memref_slice %arg2[%add3A, %dma_start3A, %dma_start3A_72] : memref<32x82x128xi32, #tpu.memory_space<hbm>> -> memref<1x80x128xi32, #tpu.memory_space<hbm>>
      %dma_start3A_74 = tpu.memref_squeeze %dma_start3A_73 : memref<1x80x128xi32, #tpu.memory_space<hbm>> -> memref<80x128xi32, #tpu.memory_space<hbm>>
      %dma_start3A_75 = arith.constant 0 : i32
      %dma_start3A_76 = arith.constant 0 : i32
      %dma_start3A_77 = tpu.memref_slice %arg2[%add3A, %dma_start3A_75, %dma_start3A_76] : memref<32x82x128xi32, #tpu.memory_space<hbm>> -> memref<1x80x128xi32, #tpu.memory_space<hbm>>
      %dma_start3A_78 = tpu.memref_squeeze %dma_start3A_77 : memref<1x80x128xi32, #tpu.memory_space<hbm>> -> memref<80x128xi32, #tpu.memory_space<hbm>>
      tpu.enqueue_dma source(%dma_start3A_78 : memref<80x128xi32, #tpu.memory_space<hbm>>) target(%arg4 : memref<80x128xi32, #tpu.memory_space<vmem>>) target_semaphore(%run_scoped3A : memref<!tpu.dma_semaphore, #tpu.memory_space<semaphore_mem>>)
      %dma_wait3A = arith.constant 0 : i32
      %dma_wait3A_79 = arith.constant 0 : i32
      %dma_wait3A_80 = tpu.memref_slice %arg2[%add3A, %dma_wait3A, %dma_wait3A_79] : memref<32x82x128xi32, #tpu.memory_space<hbm>> -> memref<1x80x128xi32, #tpu.memory_space<hbm>>
      %dma_wait3A_81 = tpu.memref_squeeze %dma_wait3A_80 : memref<1x80x128xi32, #tpu.memory_space<hbm>> -> memref<80x128xi32, #tpu.memory_space<hbm>>
      %dma_wait3A_82 = arith.constant 0 : i32
      %dma_wait3A_83 = arith.constant 0 : i32
      %dma_wait3A_84 = tpu.memref_slice %arg2[%add3A, %dma_wait3A_82, %dma_wait3A_83] : memref<32x82x128xi32, #tpu.memory_space<hbm>> -> memref<1x80x128xi32, #tpu.memory_space<hbm>>
      %dma_wait3A_85 = tpu.memref_squeeze %dma_wait3A_84 : memref<1x80x128xi32, #tpu.memory_space<hbm>> -> memref<80x128xi32, #tpu.memory_space<hbm>>
      tpu.wait_dma2 semaphore(%run_scoped3A : memref<!tpu.dma_semaphore, #tpu.memory_space<semaphore_mem>>) src(%dma_wait3A_85 : memref<80x128xi32, #tpu.memory_space<hbm>>) dst(%arg4 : memref<80x128xi32, #tpu.memory_space<vmem>>)
      tpu.yield
    }) : () -> ()
    %scan3A = arith.constant 0 : i32
    %scan3A_1 = arith.constant 0 : i32
    %scan3A_2 = arith.constant 40 : i32
    %scan3A_3 = arith.addi %scan3A_1, %scan3A_2 : i32
    %scan3A_4 = arith.constant 1 : i32
    %scan3A_5 = scf.for %scan3A_72 = %scan3A_1 to %scan3A_3 step %scan3A_4 iter_args(%scan3A_73 = %scan3A) -> (i32)  : i32 {
      %broadcast_in_dim3A_74 = arith.constant 0.000000e+00 : f32
      %broadcast_in_dim3A_75 = vector.broadcast %broadcast_in_dim3A_74 : f32 to vector<16xf32>
      %mul3A_76 = arith.constant 16 : i32
      %mul3A_77 = arith.muli %scan3A_72, %mul3A_76 : i32
      %multiple_of3A = tpu.assume_multiple %mul3A_77, 16 : i32
      %swap3A_78 = arith.index_cast %multiple_of3A : i32 to index
      %swap3A_79 = tpu.vector_load %arg6[%swap3A_78] {strides = array<i32>} : memref<640xf32, #tpu.memory_space<vmem>>, vector<16xf32>,
      %swap3A_80 = vector.shape_cast %swap3A_79 : vector<16xf32> to vector<16xf32>
      %swap3A_81 = vector.shape_cast %broadcast_in_dim3A_75 : vector<16xf32> to vector<16xf32>
      tpu.vector_store %arg6[%swap3A_78], %swap3A_81 {strides = array<i32>} : memref<640xf32, #tpu.memory_space<vmem>>, vector<16xf32>,
      %scan3A_82 = arith.constant 0 : i32
      scf.yield %scan3A_82 : i32
    }
    %scan3A_6 = arith.constant 40 : i32
    %broadcast_in_dim3A = arith.constant 1.000000e+00 : f32
    %broadcast_in_dim3A_7 = vector.broadcast %broadcast_in_dim3A : f32 to vector<16xf32>
    %swap3A = arith.constant 0 : index
    %swap3A_8 = tpu.vector_load %arg5[%swap3A] {strides = array<i32>} : memref<128xf32, #tpu.memory_space<vmem>>, vector<16xf32>,
    %swap3A_9 = vector.shape_cast %swap3A_8 : vector<16xf32> to vector<16xf32>
    %swap3A_10 = vector.shape_cast %broadcast_in_dim3A_7 : vector<16xf32> to vector<16xf32>
    tpu.vector_store %arg5[%swap3A], %swap3A_10 {strides = array<i32>} : memref<128xf32, #tpu.memory_space<vmem>>, vector<16xf32>,
    %broadcast_in_dim3A_11 = arith.constant 1.000000e+00 : f32
    %broadcast_in_dim3A_12 = vector.broadcast %broadcast_in_dim3A_11 : f32 to vector<16xf32>
    %swap3A_13 = arith.constant 16 : index
    %swap3A_14 = tpu.vector_load %arg5[%swap3A_13] {strides = array<i32>} : memref<128xf32, #tpu.memory_space<vmem>>, vector<16xf32>,
    %swap3A_15 = vector.shape_cast %swap3A_14 : vector<16xf32> to vector<16xf32>
    %swap3A_16 = vector.shape_cast %broadcast_in_dim3A_12 : vector<16xf32> to vector<16xf32>
    tpu.vector_store %arg5[%swap3A_13], %swap3A_16 {strides = array<i32>} : memref<128xf32, #tpu.memory_space<vmem>>, vector<16xf32>,
    %broadcast_in_dim3A_17 = arith.constant 1.000000e+00 : f32
    %broadcast_in_dim3A_18 = vector.broadcast %broadcast_in_dim3A_17 : f32 to vector<16xf32>
    %swap3A_19 = arith.constant 32 : index
    %swap3A_20 = tpu.vector_load %arg5[%swap3A_19] {strides = array<i32>} : memref<128xf32, #tpu.memory_space<vmem>>, vector<16xf32>,
    %swap3A_21 = vector.shape_cast %swap3A_20 : vector<16xf32> to vector<16xf32>
    %swap3A_22 = vector.shape_cast %broadcast_in_dim3A_18 : vector<16xf32> to vector<16xf32>
    tpu.vector_store %arg5[%swap3A_19], %swap3A_22 {strides = array<i32>} : memref<128xf32, #tpu.memory_space<vmem>>, vector<16xf32>,
    %broadcast_in_dim3A_23 = arith.constant 1.000000e+00 : f32
    %broadcast_in_dim3A_24 = vector.broadcast %broadcast_in_dim3A_23 : f32 to vector<16xf32>
    %swap3A_25 = arith.constant 48 : index
    %swap3A_26 = tpu.vector_load %arg5[%swap3A_25] {strides = array<i32>} : memref<128xf32, #tpu.memory_space<vmem>>, vector<16xf32>,
    %swap3A_27 = vector.shape_cast %swap3A_26 : vector<16xf32> to vector<16xf32>
    %swap3A_28 = vector.shape_cast %broadcast_in_dim3A_24 : vector<16xf32> to vector<16xf32>
    tpu.vector_store %arg5[%swap3A_25], %swap3A_28 {strides = array<i32>} : memref<128xf32, #tpu.memory_space<vmem>>, vector<16xf32>,
    %broadcast_in_dim3A_29 = arith.constant 1.000000e+00 : f32
    %broadcast_in_dim3A_30 = vector.broadcast %broadcast_in_dim3A_29 : f32 to vector<16xf32>
    %swap3A_31 = arith.constant 64 : index
    %swap3A_32 = tpu.vector_load %arg5[%swap3A_31] {strides = array<i32>} : memref<128xf32, #tpu.memory_space<vmem>>, vector<16xf32>,
    %swap3A_33 = vector.shape_cast %swap3A_32 : vector<16xf32> to vector<16xf32>
    %swap3A_34 = vector.shape_cast %broadcast_in_dim3A_30 : vector<16xf32> to vector<16xf32>
    tpu.vector_store %arg5[%swap3A_31], %swap3A_34 {strides = array<i32>} : memref<128xf32, #tpu.memory_space<vmem>>, vector<16xf32>,
    %broadcast_in_dim3A_35 = arith.constant 1.000000e+00 : f32
    %broadcast_in_dim3A_36 = vector.broadcast %broadcast_in_dim3A_35 : f32 to vector<16xf32>
    %swap3A_37 = arith.constant 80 : index
    %swap3A_38 = tpu.vector_load %arg5[%swap3A_37] {strides = array<i32>} : memref<128xf32, #tpu.memory_space<vmem>>, vector<16xf32>,
    %swap3A_39 = vector.shape_cast %swap3A_38 : vector<16xf32> to vector<16xf32>
    %swap3A_40 = vector.shape_cast %broadcast_in_dim3A_36 : vector<16xf32> to vector<16xf32>
    tpu.vector_store %arg5[%swap3A_37], %swap3A_40 {strides = array<i32>} : memref<128xf32, #tpu.memory_space<vmem>>, vector<16xf32>,
    %broadcast_in_dim3A_41 = arith.constant 1.000000e+00 : f32
    %broadcast_in_dim3A_42 = vector.broadcast %broadcast_in_dim3A_41 : f32 to vector<16xf32>
    %swap3A_43 = arith.constant 96 : index
    %swap3A_44 = tpu.vector_load %arg5[%swap3A_43] {strides = array<i32>} : memref<128xf32, #tpu.memory_space<vmem>>, vector<16xf32>,
    %swap3A_45 = vector.shape_cast %swap3A_44 : vector<16xf32> to vector<16xf32>
    %swap3A_46 = vector.shape_cast %broadcast_in_dim3A_42 : vector<16xf32> to vector<16xf32>
    tpu.vector_store %arg5[%swap3A_43], %swap3A_46 {strides = array<i32>} : memref<128xf32, #tpu.memory_space<vmem>>, vector<16xf32>,
    %broadcast_in_dim3A_47 = arith.constant 1.000000e+00 : f32
    %broadcast_in_dim3A_48 = vector.broadcast %broadcast_in_dim3A_47 : f32 to vector<16xf32>
    %swap3A_49 = arith.constant 112 : index
    %swap3A_50 = tpu.vector_load %arg5[%swap3A_49] {strides = array<i32>} : memref<128xf32, #tpu.memory_space<vmem>>, vector<16xf32>,
    %swap3A_51 = vector.shape_cast %swap3A_50 : vector<16xf32> to vector<16xf32>
    %swap3A_52 = vector.shape_cast %broadcast_in_dim3A_48 : vector<16xf32> to vector<16xf32>
    tpu.vector_store %arg5[%swap3A_49], %swap3A_52 {strides = array<i32>} : memref<128xf32, #tpu.memory_space<vmem>>, vector<16xf32>,
    %mul3A_53 = arith.constant 640 : i32
    %mul3A_54 = arith.muli %arg1, %mul3A_53 : i32
    "tpu.region"() ({
      %run_scoped3A = tpu.sem_alloc : memref<!tpu.dma_semaphore, #tpu.memory_space<semaphore_mem>>
      %dma_start3A = tpu.memref_slice %arg7[%mul3A_54] : memref<10240xf32, #tpu.memory_space<vmem_shared>> -> memref<640xf32, #tpu.memory_space<vmem_shared>>
      %dma_start3A_72 = tpu.memref_slice %arg7[%mul3A_54] : memref<10240xf32, #tpu.memory_space<vmem_shared>> -> memref<640xf32, #tpu.memory_space<vmem_shared>>
      tpu.enqueue_dma source(%arg6 : memref<640xf32, #tpu.memory_space<vmem>>) target(%dma_start3A_72 : memref<640xf32, #tpu.memory_space<vmem_shared>>) target_semaphore(%run_scoped3A : memref<!tpu.dma_semaphore, #tpu.memory_space<semaphore_mem>>)
      %dma_wait3A = tpu.memref_slice %arg7[%mul3A_54] : memref<10240xf32, #tpu.memory_space<vmem_shared>> -> memref<640xf32, #tpu.memory_space<vmem_shared>>
      %dma_wait3A_73 = tpu.memref_slice %arg7[%mul3A_54] : memref<10240xf32, #tpu.memory_space<vmem_shared>> -> memref<640xf32, #tpu.memory_space<vmem_shared>>
      tpu.wait_dma2 semaphore(%run_scoped3A : memref<!tpu.dma_semaphore, #tpu.memory_space<semaphore_mem>>) src(%arg6 : memref<640xf32, #tpu.memory_space<vmem>>) dst(%dma_wait3A_73 : memref<640xf32, #tpu.memory_space<vmem_shared>>)
      tpu.yield
    }) : () -> ()
    %barrier3A = arith.constant 0 : index
    tpu.barrier barrier_id(%barrier3A)
    %scan3A_55 = arith.constant 0 : i32
    %scan3A_56 = arith.constant 0 : i32
    %scan3A_57 = arith.constant 80 : i32
    %scan3A_58 = arith.addi %scan3A_56, %scan3A_57 : i32
    %scan3A_59 = arith.constant 1 : i32
    %scan3A_60 = scf.for %scan3A_72 = %scan3A_56 to %scan3A_58 step %scan3A_59 iter_args(%scan3A_73 = %scan3A_55) -> (i32)  : i32 {
      %dma_start3A = arith.constant 0 : i32
      %dma_start3A_74 = tpu.memref_slice %arg4[%scan3A_72, %dma_start3A] : memref<80x128xi32, #tpu.memory_space<vmem>> -> memref<1x128xi32, #tpu.memory_space<vmem>>
      %dma_start3A_75 = tpu.memref_squeeze %dma_start3A_74 : memref<1x128xi32, #tpu.memory_space<vmem>> -> memref<128xi32, #tpu.memory_space<vmem>>
      %dma_start3A_76 = arith.constant 0 : i32
      %dma_start3A_77 = tpu.memref_slice %arg7[%dma_start3A_76] : memref<10240xf32, #tpu.memory_space<vmem_shared>> -> memref<10240xf32, #tpu.memory_space<vmem_shared>>
      tpu.enqueue_indirect_dma source(%arg5 : memref<128xf32, #tpu.memory_space<vmem>>) target(%dma_start3A_77 : memref<10240xf32, #tpu.memory_space<vmem_shared>>) offsets(%dma_start3A_75 : memref<128xi32, #tpu.memory_space<vmem>>) semaphore(%arg8 : memref<!tpu.dma_semaphore, #tpu.memory_space<semaphore_mem>>) {add = true}
      %scan3A_78 = arith.constant 0 : i32
      scf.yield %scan3A_78 : i32
    }
    %scan3A_61 = arith.constant 80 : i32
    %scan3A_62 = arith.constant 0 : i32
    %scan3A_63 = arith.constant 0 : i32
    %scan3A_64 = arith.constant 80 : i32
    %scan3A_65 = arith.addi %scan3A_63, %scan3A_64 : i32
    %scan3A_66 = arith.constant 1 : i32
    %scan3A_67 = scf.for %scan3A_72 = %scan3A_63 to %scan3A_65 step %scan3A_66 iter_args(%scan3A_73 = %scan3A_62) -> (i32)  : i32 {
      %dma_wait3A = arith.constant 0 : i32
      %dma_wait3A_74 = arith.constant 0 : i32
      %dma_wait3A_75 = tpu.memref_slice %arg4[%dma_wait3A, %dma_wait3A_74] : memref<80x128xi32, #tpu.memory_space<vmem>> -> memref<1x128xi32, #tpu.memory_space<vmem>>
      %dma_wait3A_76 = tpu.memref_squeeze %dma_wait3A_75 : memref<1x128xi32, #tpu.memory_space<vmem>> -> memref<128xi32, #tpu.memory_space<vmem>>
      %dma_wait3A_77 = arith.constant 0 : i32
      %dma_wait3A_78 = tpu.memref_slice %arg7[%dma_wait3A_77] : memref<10240xf32, #tpu.memory_space<vmem_shared>> -> memref<10240xf32, #tpu.memory_space<vmem_shared>>
      tpu.wait_indirect_dma semaphore(%arg8 : memref<!tpu.dma_semaphore, #tpu.memory_space<semaphore_mem>>) src(%arg5 : memref<128xf32, #tpu.memory_space<vmem>>) dst(%dma_wait3A_78 : memref<10240xf32, #tpu.memory_space<vmem_shared>>)
      %scan3A_79 = arith.constant 0 : i32
      scf.yield %scan3A_79 : i32
    }
    %scan3A_68 = arith.constant 80 : i32
    %barrier3A_69 = arith.constant 0 : index
    tpu.barrier barrier_id(%barrier3A_69)
    %mul3A_70 = arith.constant 640 : i32
    %mul3A_71 = arith.muli %arg1, %mul3A_70 : i32
    "tpu.region"() ({
      %run_scoped3A = tpu.sem_alloc : memref<!tpu.dma_semaphore, #tpu.memory_space<semaphore_mem>>
      %dma_start3A = tpu.memref_slice %arg3[%arg0, %mul3A_71] : memref<2x10240xf32, #tpu.memory_space<hbm>> -> memref<1x640xf32, #tpu.memory_space<hbm>>
      %dma_start3A_72 = tpu.memref_squeeze %dma_start3A : memref<1x640xf32, #tpu.memory_space<hbm>> -> memref<640xf32, #tpu.memory_space<hbm>>
      %dma_start3A_73 = tpu.memref_slice %arg7[%mul3A_71] : memref<10240xf32, #tpu.memory_space<vmem_shared>> -> memref<640xf32, #tpu.memory_space<vmem_shared>>
      tpu.enqueue_dma source(%dma_start3A_73 : memref<640xf32, #tpu.memory_space<vmem_shared>>) target(%dma_start3A_72 : memref<640xf32, #tpu.memory_space<hbm>>) target_semaphore(%run_scoped3A : memref<!tpu.dma_semaphore, #tpu.memory_space<semaphore_mem>>)
      %dma_wait3A = tpu.memref_slice %arg3[%arg0, %mul3A_71] : memref<2x10240xf32, #tpu.memory_space<hbm>> -> memref<1x640xf32, #tpu.memory_space<hbm>>
      %dma_wait3A_74 = tpu.memref_squeeze %dma_wait3A : memref<1x640xf32, #tpu.memory_space<hbm>> -> memref<640xf32, #tpu.memory_space<hbm>>
      %dma_wait3A_75 = tpu.memref_slice %arg7[%mul3A_71] : memref<10240xf32, #tpu.memory_space<vmem_shared>> -> memref<640xf32, #tpu.memory_space<vmem_shared>>
      tpu.wait_dma2 semaphore(%run_scoped3A : memref<!tpu.dma_semaphore, #tpu.memory_space<semaphore_mem>>) src(%dma_wait3A_75 : memref<640xf32, #tpu.memory_space<vmem_shared>>) dst(%dma_wait3A_74 : memref<640xf32, #tpu.memory_space<hbm>>)
      tpu.yield
    }) : () -> ()
    return
  }
}

#map = affine_map<(d0, d1) -> (0, 0)>
#map1 = affine_map<(d0, d1) -> (0, 0, 0)>
module attributes {stable_mosaic.version = 14 : i64} {
  func.func @_sc_aggregate(%arg0: i32, %arg1: i32, %arg2: memref<10240x128xf32, #tpu.memory_space<hbm>>, %arg3: memref<32x81x128xi32, #tpu.memory_space<hbm>>, %arg4: memref<32x82x128xi32, #tpu.memory_space<hbm>>, %arg5: memref<2x10240x128xf32, #tpu.memory_space<hbm>>, %arg6: memref<81x128xi32, #tpu.memory_space<vmem>>, %arg7: memref<128xi32, #tpu.memory_space<vmem>>, %arg8: memref<128xi32, #tpu.memory_space<vmem>>, %arg9: memref<128x128xf32, #tpu.memory_space<vmem>>, %arg10: memref<128x128xf32, #tpu.memory_space<vmem>>, %arg11: memref<10240x128xf32, #tpu.memory_space<vmem_shared>>, %arg12: memref<!tpu.dma_semaphore, #tpu.memory_space<semaphore_mem>>, %arg13: memref<!tpu.dma_semaphore, #tpu.memory_space<semaphore_mem>>, %arg14: memref<!tpu.dma_semaphore, #tpu.memory_space<semaphore_mem>>, %arg15: memref<!tpu.dma_semaphore, #tpu.memory_space<semaphore_mem>>, %arg16: memref<!tpu.dma_semaphore, #tpu.memory_space<semaphore_mem>>, %arg17: memref<!tpu.dma_semaphore, #tpu.memory_space<semaphore_mem>>) attributes {dimension_semantics = [#tpu.dimension_semantics<core_parallel>, #tpu.dimension_semantics<subcore_parallel>], iteration_bounds = array<i64: 2, 16>, scalar_prefetch = 0 : i64, scratch_operands = 12 : i64, tpu.core_type = #tpu.core_type<sc_vector_subcore>, window_params = [{transform_indices = #map}, {transform_indices = #map1}, {transform_indices = #map1}, {transform_indices = #map1}]} {
    %mul3A = arith.constant 2 : i32
    %mul3A_0 = arith.muli %arg1, %mul3A : i32
    %add3A = arith.addi %mul3A_0, %arg0 : i32
    "tpu.region"() ({
      %run_scoped3A_63 = tpu.sem_alloc : memref<!tpu.dma_semaphore, #tpu.memory_space<semaphore_mem>>
      %dma_start3A_64 = arith.constant 0 : i32
      %dma_start3A_65 = arith.constant 0 : i32
      %dma_start3A_66 = tpu.memref_slice %arg3[%add3A, %dma_start3A_64, %dma_start3A_65] : memref<32x81x128xi32, #tpu.memory_space<hbm>> -> memref<1x81x128xi32, #tpu.memory_space<hbm>>
      %dma_start3A_67 = tpu.memref_squeeze %dma_start3A_66 : memref<1x81x128xi32, #tpu.memory_space<hbm>> -> memref<81x128xi32, #tpu.memory_space<hbm>>
      %dma_start3A_68 = arith.constant 0 : i32
      %dma_start3A_69 = arith.constant 0 : i32
      %dma_start3A_70 = tpu.memref_slice %arg3[%add3A, %dma_start3A_68, %dma_start3A_69] : memref<32x81x128xi32, #tpu.memory_space<hbm>> -> memref<1x81x128xi32, #tpu.memory_space<hbm>>
      %dma_start3A_71 = tpu.memref_squeeze %dma_start3A_70 : memref<1x81x128xi32, #tpu.memory_space<hbm>> -> memref<81x128xi32, #tpu.memory_space<hbm>>
      tpu.enqueue_dma source(%dma_start3A_71 : memref<81x128xi32, #tpu.memory_space<hbm>>) target(%arg6 : memref<81x128xi32, #tpu.memory_space<vmem>>) target_semaphore(%run_scoped3A_63 : memref<!tpu.dma_semaphore, #tpu.memory_space<semaphore_mem>>)
      %dma_wait3A_72 = arith.constant 0 : i32
      %dma_wait3A_73 = arith.constant 0 : i32
      %dma_wait3A_74 = tpu.memref_slice %arg3[%add3A, %dma_wait3A_72, %dma_wait3A_73] : memref<32x81x128xi32, #tpu.memory_space<hbm>> -> memref<1x81x128xi32, #tpu.memory_space<hbm>>
      %dma_wait3A_75 = tpu.memref_squeeze %dma_wait3A_74 : memref<1x81x128xi32, #tpu.memory_space<hbm>> -> memref<81x128xi32, #tpu.memory_space<hbm>>
      %dma_wait3A_76 = arith.constant 0 : i32
      %dma_wait3A_77 = arith.constant 0 : i32
      %dma_wait3A_78 = tpu.memref_slice %arg3[%add3A, %dma_wait3A_76, %dma_wait3A_77] : memref<32x81x128xi32, #tpu.memory_space<hbm>> -> memref<1x81x128xi32, #tpu.memory_space<hbm>>
      %dma_wait3A_79 = tpu.memref_squeeze %dma_wait3A_78 : memref<1x81x128xi32, #tpu.memory_space<hbm>> -> memref<81x128xi32, #tpu.memory_space<hbm>>
      tpu.wait_dma2 semaphore(%run_scoped3A_63 : memref<!tpu.dma_semaphore, #tpu.memory_space<semaphore_mem>>) src(%dma_wait3A_79 : memref<81x128xi32, #tpu.memory_space<hbm>>) dst(%arg6 : memref<81x128xi32, #tpu.memory_space<vmem>>)
      tpu.yield
    }) : () -> ()
    %run_scoped3A = arith.constant 0 : i32
    "tpu.region"() ({
      %run_scoped3A_63 = tpu.sem_alloc : memref<!tpu.dma_semaphore, #tpu.memory_space<semaphore_mem>>
      %dma_start3A_64 = arith.constant 0 : i32
      %dma_start3A_65 = tpu.memref_slice %arg4[%add3A, %run_scoped3A, %dma_start3A_64] : memref<32x82x128xi32, #tpu.memory_space<hbm>> -> memref<1x1x128xi32, #tpu.memory_space<hbm>>
      %dma_start3A_66 = tpu.memref_squeeze %dma_start3A_65 : memref<1x1x128xi32, #tpu.memory_space<hbm>> -> memref<128xi32, #tpu.memory_space<hbm>>
      %dma_start3A_67 = arith.constant 0 : i32
      %dma_start3A_68 = tpu.memref_slice %arg4[%add3A, %run_scoped3A, %dma_start3A_67] : memref<32x82x128xi32, #tpu.memory_space<hbm>> -> memref<1x1x128xi32, #tpu.memory_space<hbm>>
      %dma_start3A_69 = tpu.memref_squeeze %dma_start3A_68 : memref<1x1x128xi32, #tpu.memory_space<hbm>> -> memref<128xi32, #tpu.memory_space<hbm>>
      tpu.enqueue_dma source(%dma_start3A_69 : memref<128xi32, #tpu.memory_space<hbm>>) target(%arg7 : memref<128xi32, #tpu.memory_space<vmem>>) target_semaphore(%run_scoped3A_63 : memref<!tpu.dma_semaphore, #tpu.memory_space<semaphore_mem>>)
      %dma_wait3A_70 = arith.constant 0 : i32
      %dma_wait3A_71 = tpu.memref_slice %arg4[%add3A, %run_scoped3A, %dma_wait3A_70] : memref<32x82x128xi32, #tpu.memory_space<hbm>> -> memref<1x1x128xi32, #tpu.memory_space<hbm>>
      %dma_wait3A_72 = tpu.memref_squeeze %dma_wait3A_71 : memref<1x1x128xi32, #tpu.memory_space<hbm>> -> memref<128xi32, #tpu.memory_space<hbm>>
      %dma_wait3A_73 = arith.constant 0 : i32
      %dma_wait3A_74 = tpu.memref_slice %arg4[%add3A, %run_scoped3A, %dma_wait3A_73] : memref<32x82x128xi32, #tpu.memory_space<hbm>> -> memref<1x1x128xi32, #tpu.memory_space<hbm>>
      %dma_wait3A_75 = tpu.memref_squeeze %dma_wait3A_74 : memref<1x1x128xi32, #tpu.memory_space<hbm>> -> memref<128xi32, #tpu.memory_space<hbm>>
      tpu.wait_dma2 semaphore(%run_scoped3A_63 : memref<!tpu.dma_semaphore, #tpu.memory_space<semaphore_mem>>) src(%dma_wait3A_75 : memref<128xi32, #tpu.memory_space<hbm>>) dst(%arg7 : memref<128xi32, #tpu.memory_space<vmem>>)
      tpu.yield
    }) : () -> ()
    %dma_start3A = arith.constant 1 : i32
    %dma_start3A_1 = arith.constant 0 : i32
    %dma_start3A_2 = tpu.memref_slice %arg4[%add3A, %dma_start3A, %dma_start3A_1] : memref<32x82x128xi32, #tpu.memory_space<hbm>> -> memref<1x1x128xi32, #tpu.memory_space<hbm>>
    %dma_start3A_3 = tpu.memref_squeeze %dma_start3A_2 : memref<1x1x128xi32, #tpu.memory_space<hbm>> -> memref<128xi32, #tpu.memory_space<hbm>>
    %dma_start3A_4 = arith.constant 0 : i32
    %dma_start3A_5 = tpu.memref_slice %arg4[%add3A, %dma_start3A, %dma_start3A_4] : memref<32x82x128xi32, #tpu.memory_space<hbm>> -> memref<1x1x128xi32, #tpu.memory_space<hbm>>
    %dma_start3A_6 = tpu.memref_squeeze %dma_start3A_5 : memref<1x1x128xi32, #tpu.memory_space<hbm>> -> memref<128xi32, #tpu.memory_space<hbm>>
    tpu.enqueue_dma source(%dma_start3A_6 : memref<128xi32, #tpu.memory_space<hbm>>) target(%arg8 : memref<128xi32, #tpu.memory_space<vmem>>) target_semaphore(%arg17 : memref<!tpu.dma_semaphore, #tpu.memory_space<semaphore_mem>>)
    %scan3A = arith.constant 0 : i32
    %scan3A_7 = arith.constant 0 : i32
    %scan3A_8 = arith.constant 128 : i32
    %scan3A_9 = arith.addi %scan3A_7, %scan3A_8 : i32
    %scan3A_10 = arith.constant 1 : i32
    %scan3A_11 = scf.for %scan3A_63 = %scan3A_7 to %scan3A_9 step %scan3A_10 iter_args(%scan3A_64 = %scan3A) -> (i32)  : i32 {
      %broadcast_in_dim3A = arith.constant 0.000000e+00 : f32
      %broadcast_in_dim3A_65 = vector.broadcast %broadcast_in_dim3A : f32 to vector<16xf32>
      %swap3A = arith.index_cast %scan3A_63 : i32 to index
      %swap3A_66 = arith.constant 0 : index
      %swap3A_67 = tpu.vector_load %arg9[%swap3A, %swap3A_66] {strides = array<i32>} : memref<128x128xf32, #tpu.memory_space<vmem>>, vector<1x16xf32>,
      %swap3A_68 = vector.shape_cast %swap3A_67 : vector<1x16xf32> to vector<16xf32>
      %swap3A_69 = vector.shape_cast %broadcast_in_dim3A_65 : vector<16xf32> to vector<1x16xf32>
      tpu.vector_store %arg9[%swap3A, %swap3A_66], %swap3A_69 {strides = array<i32>} : memref<128x128xf32, #tpu.memory_space<vmem>>, vector<1x16xf32>,
      %broadcast_in_dim3A_70 = arith.constant 0.000000e+00 : f32
      %broadcast_in_dim3A_71 = vector.broadcast %broadcast_in_dim3A_70 : f32 to vector<16xf32>
      %swap3A_72 = arith.index_cast %scan3A_63 : i32 to index
      %swap3A_73 = arith.constant 16 : index
      %swap3A_74 = tpu.vector_load %arg9[%swap3A_72, %swap3A_73] {strides = array<i32>} : memref<128x128xf32, #tpu.memory_space<vmem>>, vector<1x16xf32>,
      %swap3A_75 = vector.shape_cast %swap3A_74 : vector<1x16xf32> to vector<16xf32>
      %swap3A_76 = vector.shape_cast %broadcast_in_dim3A_71 : vector<16xf32> to vector<1x16xf32>
      tpu.vector_store %arg9[%swap3A_72, %swap3A_73], %swap3A_76 {strides = array<i32>} : memref<128x128xf32, #tpu.memory_space<vmem>>, vector<1x16xf32>,
      %broadcast_in_dim3A_77 = arith.constant 0.000000e+00 : f32
      %broadcast_in_dim3A_78 = vector.broadcast %broadcast_in_dim3A_77 : f32 to vector<16xf32>
      %swap3A_79 = arith.index_cast %scan3A_63 : i32 to index
      %swap3A_80 = arith.constant 32 : index
      %swap3A_81 = tpu.vector_load %arg9[%swap3A_79, %swap3A_80] {strides = array<i32>} : memref<128x128xf32, #tpu.memory_space<vmem>>, vector<1x16xf32>,
      %swap3A_82 = vector.shape_cast %swap3A_81 : vector<1x16xf32> to vector<16xf32>
      %swap3A_83 = vector.shape_cast %broadcast_in_dim3A_78 : vector<16xf32> to vector<1x16xf32>
      tpu.vector_store %arg9[%swap3A_79, %swap3A_80], %swap3A_83 {strides = array<i32>} : memref<128x128xf32, #tpu.memory_space<vmem>>, vector<1x16xf32>,
      %broadcast_in_dim3A_84 = arith.constant 0.000000e+00 : f32
      %broadcast_in_dim3A_85 = vector.broadcast %broadcast_in_dim3A_84 : f32 to vector<16xf32>
      %swap3A_86 = arith.index_cast %scan3A_63 : i32 to index
      %swap3A_87 = arith.constant 48 : index
      %swap3A_88 = tpu.vector_load %arg9[%swap3A_86, %swap3A_87] {strides = array<i32>} : memref<128x128xf32, #tpu.memory_space<vmem>>, vector<1x16xf32>,
      %swap3A_89 = vector.shape_cast %swap3A_88 : vector<1x16xf32> to vector<16xf32>
      %swap3A_90 = vector.shape_cast %broadcast_in_dim3A_85 : vector<16xf32> to vector<1x16xf32>
      tpu.vector_store %arg9[%swap3A_86, %swap3A_87], %swap3A_90 {strides = array<i32>} : memref<128x128xf32, #tpu.memory_space<vmem>>, vector<1x16xf32>,
      %broadcast_in_dim3A_91 = arith.constant 0.000000e+00 : f32
      %broadcast_in_dim3A_92 = vector.broadcast %broadcast_in_dim3A_91 : f32 to vector<16xf32>
      %swap3A_93 = arith.index_cast %scan3A_63 : i32 to index
      %swap3A_94 = arith.constant 64 : index
      %swap3A_95 = tpu.vector_load %arg9[%swap3A_93, %swap3A_94] {strides = array<i32>} : memref<128x128xf32, #tpu.memory_space<vmem>>, vector<1x16xf32>,
      %swap3A_96 = vector.shape_cast %swap3A_95 : vector<1x16xf32> to vector<16xf32>
      %swap3A_97 = vector.shape_cast %broadcast_in_dim3A_92 : vector<16xf32> to vector<1x16xf32>
      tpu.vector_store %arg9[%swap3A_93, %swap3A_94], %swap3A_97 {strides = array<i32>} : memref<128x128xf32, #tpu.memory_space<vmem>>, vector<1x16xf32>,
      %broadcast_in_dim3A_98 = arith.constant 0.000000e+00 : f32
      %broadcast_in_dim3A_99 = vector.broadcast %broadcast_in_dim3A_98 : f32 to vector<16xf32>
      %swap3A_100 = arith.index_cast %scan3A_63 : i32 to index
      %swap3A_101 = arith.constant 80 : index
      %swap3A_102 = tpu.vector_load %arg9[%swap3A_100, %swap3A_101] {strides = array<i32>} : memref<128x128xf32, #tpu.memory_space<vmem>>, vector<1x16xf32>,
      %swap3A_103 = vector.shape_cast %swap3A_102 : vector<1x16xf32> to vector<16xf32>
      %swap3A_104 = vector.shape_cast %broadcast_in_dim3A_99 : vector<16xf32> to vector<1x16xf32>
      tpu.vector_store %arg9[%swap3A_100, %swap3A_101], %swap3A_104 {strides = array<i32>} : memref<128x128xf32, #tpu.memory_space<vmem>>, vector<1x16xf32>,
      %broadcast_in_dim3A_105 = arith.constant 0.000000e+00 : f32
      %broadcast_in_dim3A_106 = vector.broadcast %broadcast_in_dim3A_105 : f32 to vector<16xf32>
      %swap3A_107 = arith.index_cast %scan3A_63 : i32 to index
      %swap3A_108 = arith.constant 96 : index
      %swap3A_109 = tpu.vector_load %arg9[%swap3A_107, %swap3A_108] {strides = array<i32>} : memref<128x128xf32, #tpu.memory_space<vmem>>, vector<1x16xf32>,
      %swap3A_110 = vector.shape_cast %swap3A_109 : vector<1x16xf32> to vector<16xf32>
      %swap3A_111 = vector.shape_cast %broadcast_in_dim3A_106 : vector<16xf32> to vector<1x16xf32>
      tpu.vector_store %arg9[%swap3A_107, %swap3A_108], %swap3A_111 {strides = array<i32>} : memref<128x128xf32, #tpu.memory_space<vmem>>, vector<1x16xf32>,
      %broadcast_in_dim3A_112 = arith.constant 0.000000e+00 : f32
      %broadcast_in_dim3A_113 = vector.broadcast %broadcast_in_dim3A_112 : f32 to vector<16xf32>
      %swap3A_114 = arith.index_cast %scan3A_63 : i32 to index
      %swap3A_115 = arith.constant 112 : index
      %swap3A_116 = tpu.vector_load %arg9[%swap3A_114, %swap3A_115] {strides = array<i32>} : memref<128x128xf32, #tpu.memory_space<vmem>>, vector<1x16xf32>,
      %swap3A_117 = vector.shape_cast %swap3A_116 : vector<1x16xf32> to vector<16xf32>
      %swap3A_118 = vector.shape_cast %broadcast_in_dim3A_113 : vector<16xf32> to vector<1x16xf32>
      tpu.vector_store %arg9[%swap3A_114, %swap3A_115], %swap3A_118 {strides = array<i32>} : memref<128x128xf32, #tpu.memory_space<vmem>>, vector<1x16xf32>,
      %scan3A_119 = arith.constant 0 : i32
      scf.yield %scan3A_119 : i32
    }
    %scan3A_12 = arith.constant 128 : i32
    %mul3A_13 = arith.constant 640 : i32
    %mul3A_14 = arith.muli %arg1, %mul3A_13 : i32
    %add3A_15 = arith.constant 0 : i32
    %add3A_16 = arith.addi %mul3A_14, %add3A_15 : i32
    "tpu.region"() ({
      %run_scoped3A_63 = tpu.sem_alloc : memref<!tpu.dma_semaphore, #tpu.memory_space<semaphore_mem>>
      %dma_start3A_64 = arith.constant 0 : i32
      %dma_start3A_65 = tpu.memref_slice %arg11[%add3A_16, %dma_start3A_64] : memref<10240x128xf32, #tpu.memory_space<vmem_shared>> -> memref<128x128xf32, #tpu.memory_space<vmem_shared>>
      %dma_start3A_66 = arith.constant 0 : i32
      %dma_start3A_67 = tpu.memref_slice %arg11[%add3A_16, %dma_start3A_66] : memref<10240x128xf32, #tpu.memory_space<vmem_shared>> -> memref<128x128xf32, #tpu.memory_space<vmem_shared>>
      tpu.enqueue_dma source(%arg9 : memref<128x128xf32, #tpu.memory_space<vmem>>) target(%dma_start3A_67 : memref<128x128xf32, #tpu.memory_space<vmem_shared>>) target_semaphore(%run_scoped3A_63 : memref<!tpu.dma_semaphore, #tpu.memory_space<semaphore_mem>>)
      %dma_wait3A_68 = arith.constant 0 : i32
      %dma_wait3A_69 = tpu.memref_slice %arg11[%add3A_16, %dma_wait3A_68] : memref<10240x128xf32, #tpu.memory_space<vmem_shared>> -> memref<128x128xf32, #tpu.memory_space<vmem_shared>>
      %dma_wait3A_70 = arith.constant 0 : i32
      %dma_wait3A_71 = tpu.memref_slice %arg11[%add3A_16, %dma_wait3A_70] : memref<10240x128xf32, #tpu.memory_space<vmem_shared>> -> memref<128x128xf32, #tpu.memory_space<vmem_shared>>
      tpu.wait_dma2 semaphore(%run_scoped3A_63 : memref<!tpu.dma_semaphore, #tpu.memory_space<semaphore_mem>>) src(%arg9 : memref<128x128xf32, #tpu.memory_space<vmem>>) dst(%dma_wait3A_71 : memref<128x128xf32, #tpu.memory_space<vmem_shared>>)
      tpu.yield
    }) : () -> ()
    %mul3A_17 = arith.constant 640 : i32
    %mul3A_18 = arith.muli %arg1, %mul3A_17 : i32
    %add3A_19 = arith.constant 128 : i32
    %add3A_20 = arith.addi %mul3A_18, %add3A_19 : i32
    "tpu.region"() ({
      %run_scoped3A_63 = tpu.sem_alloc : memref<!tpu.dma_semaphore, #tpu.memory_space<semaphore_mem>>
      %dma_start3A_64 = arith.constant 0 : i32
      %dma_start3A_65 = tpu.memref_slice %arg11[%add3A_20, %dma_start3A_64] : memref<10240x128xf32, #tpu.memory_space<vmem_shared>> -> memref<128x128xf32, #tpu.memory_space<vmem_shared>>
      %dma_start3A_66 = arith.constant 0 : i32
      %dma_start3A_67 = tpu.memref_slice %arg11[%add3A_20, %dma_start3A_66] : memref<10240x128xf32, #tpu.memory_space<vmem_shared>> -> memref<128x128xf32, #tpu.memory_space<vmem_shared>>
      tpu.enqueue_dma source(%arg9 : memref<128x128xf32, #tpu.memory_space<vmem>>) target(%dma_start3A_67 : memref<128x128xf32, #tpu.memory_space<vmem_shared>>) target_semaphore(%run_scoped3A_63 : memref<!tpu.dma_semaphore, #tpu.memory_space<semaphore_mem>>)
      %dma_wait3A_68 = arith.constant 0 : i32
      %dma_wait3A_69 = tpu.memref_slice %arg11[%add3A_20, %dma_wait3A_68] : memref<10240x128xf32, #tpu.memory_space<vmem_shared>> -> memref<128x128xf32, #tpu.memory_space<vmem_shared>>
      %dma_wait3A_70 = arith.constant 0 : i32
      %dma_wait3A_71 = tpu.memref_slice %arg11[%add3A_20, %dma_wait3A_70] : memref<10240x128xf32, #tpu.memory_space<vmem_shared>> -> memref<128x128xf32, #tpu.memory_space<vmem_shared>>
      tpu.wait_dma2 semaphore(%run_scoped3A_63 : memref<!tpu.dma_semaphore, #tpu.memory_space<semaphore_mem>>) src(%arg9 : memref<128x128xf32, #tpu.memory_space<vmem>>) dst(%dma_wait3A_71 : memref<128x128xf32, #tpu.memory_space<vmem_shared>>)
      tpu.yield
    }) : () -> ()
    %mul3A_21 = arith.constant 640 : i32
    %mul3A_22 = arith.muli %arg1, %mul3A_21 : i32
    %add3A_23 = arith.constant 256 : i32
    %add3A_24 = arith.addi %mul3A_22, %add3A_23 : i32
    "tpu.region"() ({
      %run_scoped3A_63 = tpu.sem_alloc : memref<!tpu.dma_semaphore, #tpu.memory_space<semaphore_mem>>
      %dma_start3A_64 = arith.constant 0 : i32
      %dma_start3A_65 = tpu.memref_slice %arg11[%add3A_24, %dma_start3A_64] : memref<10240x128xf32, #tpu.memory_space<vmem_shared>> -> memref<128x128xf32, #tpu.memory_space<vmem_shared>>
      %dma_start3A_66 = arith.constant 0 : i32
      %dma_start3A_67 = tpu.memref_slice %arg11[%add3A_24, %dma_start3A_66] : memref<10240x128xf32, #tpu.memory_space<vmem_shared>> -> memref<128x128xf32, #tpu.memory_space<vmem_shared>>
      tpu.enqueue_dma source(%arg9 : memref<128x128xf32, #tpu.memory_space<vmem>>) target(%dma_start3A_67 : memref<128x128xf32, #tpu.memory_space<vmem_shared>>) target_semaphore(%run_scoped3A_63 : memref<!tpu.dma_semaphore, #tpu.memory_space<semaphore_mem>>)
      %dma_wait3A_68 = arith.constant 0 : i32
      %dma_wait3A_69 = tpu.memref_slice %arg11[%add3A_24, %dma_wait3A_68] : memref<10240x128xf32, #tpu.memory_space<vmem_shared>> -> memref<128x128xf32, #tpu.memory_space<vmem_shared>>
      %dma_wait3A_70 = arith.constant 0 : i32
      %dma_wait3A_71 = tpu.memref_slice %arg11[%add3A_24, %dma_wait3A_70] : memref<10240x128xf32, #tpu.memory_space<vmem_shared>> -> memref<128x128xf32, #tpu.memory_space<vmem_shared>>
      tpu.wait_dma2 semaphore(%run_scoped3A_63 : memref<!tpu.dma_semaphore, #tpu.memory_space<semaphore_mem>>) src(%arg9 : memref<128x128xf32, #tpu.memory_space<vmem>>) dst(%dma_wait3A_71 : memref<128x128xf32, #tpu.memory_space<vmem_shared>>)
      tpu.yield
    }) : () -> ()
    %mul3A_25 = arith.constant 640 : i32
    %mul3A_26 = arith.muli %arg1, %mul3A_25 : i32
    %add3A_27 = arith.constant 384 : i32
    %add3A_28 = arith.addi %mul3A_26, %add3A_27 : i32
    "tpu.region"() ({
      %run_scoped3A_63 = tpu.sem_alloc : memref<!tpu.dma_semaphore, #tpu.memory_space<semaphore_mem>>
      %dma_start3A_64 = arith.constant 0 : i32
      %dma_start3A_65 = tpu.memref_slice %arg11[%add3A_28, %dma_start3A_64] : memref<10240x128xf32, #tpu.memory_space<vmem_shared>> -> memref<128x128xf32, #tpu.memory_space<vmem_shared>>
      %dma_start3A_66 = arith.constant 0 : i32
      %dma_start3A_67 = tpu.memref_slice %arg11[%add3A_28, %dma_start3A_66] : memref<10240x128xf32, #tpu.memory_space<vmem_shared>> -> memref<128x128xf32, #tpu.memory_space<vmem_shared>>
      tpu.enqueue_dma source(%arg9 : memref<128x128xf32, #tpu.memory_space<vmem>>) target(%dma_start3A_67 : memref<128x128xf32, #tpu.memory_space<vmem_shared>>) target_semaphore(%run_scoped3A_63 : memref<!tpu.dma_semaphore, #tpu.memory_space<semaphore_mem>>)
      %dma_wait3A_68 = arith.constant 0 : i32
      %dma_wait3A_69 = tpu.memref_slice %arg11[%add3A_28, %dma_wait3A_68] : memref<10240x128xf32, #tpu.memory_space<vmem_shared>> -> memref<128x128xf32, #tpu.memory_space<vmem_shared>>
      %dma_wait3A_70 = arith.constant 0 : i32
      %dma_wait3A_71 = tpu.memref_slice %arg11[%add3A_28, %dma_wait3A_70] : memref<10240x128xf32, #tpu.memory_space<vmem_shared>> -> memref<128x128xf32, #tpu.memory_space<vmem_shared>>
      tpu.wait_dma2 semaphore(%run_scoped3A_63 : memref<!tpu.dma_semaphore, #tpu.memory_space<semaphore_mem>>) src(%arg9 : memref<128x128xf32, #tpu.memory_space<vmem>>) dst(%dma_wait3A_71 : memref<128x128xf32, #tpu.memory_space<vmem_shared>>)
      tpu.yield
    }) : () -> ()
    %mul3A_29 = arith.constant 640 : i32
    %mul3A_30 = arith.muli %arg1, %mul3A_29 : i32
    %add3A_31 = arith.constant 512 : i32
    %add3A_32 = arith.addi %mul3A_30, %add3A_31 : i32
    "tpu.region"() ({
      %run_scoped3A_63 = tpu.sem_alloc : memref<!tpu.dma_semaphore, #tpu.memory_space<semaphore_mem>>
      %dma_start3A_64 = arith.constant 0 : i32
      %dma_start3A_65 = tpu.memref_slice %arg11[%add3A_32, %dma_start3A_64] : memref<10240x128xf32, #tpu.memory_space<vmem_shared>> -> memref<128x128xf32, #tpu.memory_space<vmem_shared>>
      %dma_start3A_66 = arith.constant 0 : i32
      %dma_start3A_67 = tpu.memref_slice %arg11[%add3A_32, %dma_start3A_66] : memref<10240x128xf32, #tpu.memory_space<vmem_shared>> -> memref<128x128xf32, #tpu.memory_space<vmem_shared>>
      tpu.enqueue_dma source(%arg9 : memref<128x128xf32, #tpu.memory_space<vmem>>) target(%dma_start3A_67 : memref<128x128xf32, #tpu.memory_space<vmem_shared>>) target_semaphore(%run_scoped3A_63 : memref<!tpu.dma_semaphore, #tpu.memory_space<semaphore_mem>>)
      %dma_wait3A_68 = arith.constant 0 : i32
      %dma_wait3A_69 = tpu.memref_slice %arg11[%add3A_32, %dma_wait3A_68] : memref<10240x128xf32, #tpu.memory_space<vmem_shared>> -> memref<128x128xf32, #tpu.memory_space<vmem_shared>>
      %dma_wait3A_70 = arith.constant 0 : i32
      %dma_wait3A_71 = tpu.memref_slice %arg11[%add3A_32, %dma_wait3A_70] : memref<10240x128xf32, #tpu.memory_space<vmem_shared>> -> memref<128x128xf32, #tpu.memory_space<vmem_shared>>
      tpu.wait_dma2 semaphore(%run_scoped3A_63 : memref<!tpu.dma_semaphore, #tpu.memory_space<semaphore_mem>>) src(%arg9 : memref<128x128xf32, #tpu.memory_space<vmem>>) dst(%dma_wait3A_71 : memref<128x128xf32, #tpu.memory_space<vmem_shared>>)
      tpu.yield
    }) : () -> ()
    %barrier3A = arith.constant 0 : index
    tpu.barrier barrier_id(%barrier3A)
    %dma_start3A_33 = arith.constant 0 : i32
    %dma_start3A_34 = arith.constant 0 : i32
    %dma_start3A_35 = tpu.memref_slice %arg6[%dma_start3A_33, %dma_start3A_34] : memref<81x128xi32, #tpu.memory_space<vmem>> -> memref<1x128xi32, #tpu.memory_space<vmem>>
    %dma_start3A_36 = tpu.memref_squeeze %dma_start3A_35 : memref<1x128xi32, #tpu.memory_space<vmem>> -> memref<128xi32, #tpu.memory_space<vmem>>
    %dma_start3A_37 = arith.constant 0 : i32
    %dma_start3A_38 = arith.constant 0 : i32
    %dma_start3A_39 = tpu.memref_slice %arg2[%dma_start3A_37, %dma_start3A_38] : memref<10240x128xf32, #tpu.memory_space<hbm>> -> memref<10240x128xf32, #tpu.memory_space<hbm>>
    tpu.enqueue_indirect_dma source(%dma_start3A_39 : memref<10240x128xf32, #tpu.memory_space<hbm>>) target(%arg9 : memref<128x128xf32, #tpu.memory_space<vmem>>) offsets(%dma_start3A_36 : memref<128xi32, #tpu.memory_space<vmem>>) semaphore(%arg12 : memref<!tpu.dma_semaphore, #tpu.memory_space<semaphore_mem>>)
    %scan3A_40 = arith.constant 0 : i32
    %scan3A_41 = arith.constant 0 : i32
    %scan3A_42 = arith.constant 40 : i32
    %scan3A_43 = arith.addi %scan3A_41, %scan3A_42 : i32
    %scan3A_44 = arith.constant 1 : i32
    %scan3A_45 = scf.for %scan3A_63 = %scan3A_41 to %scan3A_43 step %scan3A_44 iter_args(%scan3A_64 = %scan3A_40) -> (i32)  : i32 {
      %mul3A_65 = arith.constant 2 : i32
      %mul3A_66 = arith.muli %mul3A_65, %scan3A_63 : i32
      %dma_wait3A_67 = arith.constant 0 : i32
      %dma_wait3A_68 = arith.constant 0 : i32
      %dma_wait3A_69 = tpu.memref_slice %arg6[%dma_wait3A_67, %dma_wait3A_68] : memref<81x128xi32, #tpu.memory_space<vmem>> -> memref<1x128xi32, #tpu.memory_space<vmem>>
      %dma_wait3A_70 = tpu.memref_squeeze %dma_wait3A_69 : memref<1x128xi32, #tpu.memory_space<vmem>> -> memref<128xi32, #tpu.memory_space<vmem>>
      %dma_wait3A_71 = arith.constant 0 : i32
      %dma_wait3A_72 = arith.constant 0 : i32
      %dma_wait3A_73 = tpu.memref_slice %arg2[%dma_wait3A_71, %dma_wait3A_72] : memref<10240x128xf32, #tpu.memory_space<hbm>> -> memref<10240x128xf32, #tpu.memory_space<hbm>>
      tpu.wait_indirect_dma semaphore(%arg12 : memref<!tpu.dma_semaphore, #tpu.memory_space<semaphore_mem>>) src(%dma_wait3A_73 : memref<10240x128xf32, #tpu.memory_space<hbm>>) dst(%arg9 : memref<128x128xf32, #tpu.memory_space<vmem>>)
      %add3A_74 = arith.constant 1 : i32
      %add3A_75 = arith.addi %mul3A_66, %add3A_74 : i32
      %dma_start3A_76 = arith.constant 0 : i32
      %dma_start3A_77 = tpu.memref_slice %arg6[%add3A_75, %dma_start3A_76] : memref<81x128xi32, #tpu.memory_space<vmem>> -> memref<1x128xi32, #tpu.memory_space<vmem>>
      %dma_start3A_78 = tpu.memref_squeeze %dma_start3A_77 : memref<1x128xi32, #tpu.memory_space<vmem>> -> memref<128xi32, #tpu.memory_space<vmem>>
      %dma_start3A_79 = arith.constant 0 : i32
      %dma_start3A_80 = arith.constant 0 : i32
      %dma_start3A_81 = tpu.memref_slice %arg2[%dma_start3A_79, %dma_start3A_80] : memref<10240x128xf32, #tpu.memory_space<hbm>> -> memref<10240x128xf32, #tpu.memory_space<hbm>>
      tpu.enqueue_indirect_dma source(%dma_start3A_81 : memref<10240x128xf32, #tpu.memory_space<hbm>>) target(%arg10 : memref<128x128xf32, #tpu.memory_space<vmem>>) offsets(%dma_start3A_78 : memref<128xi32, #tpu.memory_space<vmem>>) semaphore(%arg13 : memref<!tpu.dma_semaphore, #tpu.memory_space<semaphore_mem>>)
      %dma_start3A_82 = arith.constant 0 : i32
      %dma_start3A_83 = arith.constant 0 : i32
      %dma_start3A_84 = tpu.memref_slice %arg11[%dma_start3A_82, %dma_start3A_83] : memref<10240x128xf32, #tpu.memory_space<vmem_shared>> -> memref<10240x128xf32, #tpu.memory_space<vmem_shared>>
      tpu.enqueue_indirect_dma source(%arg9 : memref<128x128xf32, #tpu.memory_space<vmem>>) target(%dma_start3A_84 : memref<10240x128xf32, #tpu.memory_space<vmem_shared>>) offsets(%arg7 : memref<128xi32, #tpu.memory_space<vmem>>) semaphore(%arg14 : memref<!tpu.dma_semaphore, #tpu.memory_space<semaphore_mem>>) {add = true}
      %dma_wait3A_85 = arith.constant 0 : i32
      %dma_wait3A_86 = arith.constant 0 : i32
      %dma_wait3A_87 = tpu.memref_slice %arg4[%add3A, %dma_wait3A_85, %dma_wait3A_86] : memref<32x82x128xi32, #tpu.memory_space<hbm>> -> memref<1x1x128xi32, #tpu.memory_space<hbm>>
      %dma_wait3A_88 = tpu.memref_squeeze %dma_wait3A_87 : memref<1x1x128xi32, #tpu.memory_space<hbm>> -> memref<128xi32, #tpu.memory_space<hbm>>
      %dma_wait3A_89 = arith.constant 0 : i32
      %dma_wait3A_90 = tpu.memref_slice %arg4[%add3A, %dma_wait3A_85, %dma_wait3A_89] : memref<32x82x128xi32, #tpu.memory_space<hbm>> -> memref<1x1x128xi32, #tpu.memory_space<hbm>>
      %dma_wait3A_91 = tpu.memref_squeeze %dma_wait3A_90 : memref<1x1x128xi32, #tpu.memory_space<hbm>> -> memref<128xi32, #tpu.memory_space<hbm>>
      tpu.wait_dma2 semaphore(%arg17 : memref<!tpu.dma_semaphore, #tpu.memory_space<semaphore_mem>>) src(%dma_wait3A_91 : memref<128xi32, #tpu.memory_space<hbm>>) dst(%arg8 : memref<128xi32, #tpu.memory_space<vmem>>)
      %dma_wait3A_92 = arith.constant 0 : i32
      %dma_wait3A_93 = arith.constant 0 : i32
      %dma_wait3A_94 = tpu.memref_slice %arg6[%dma_wait3A_92, %dma_wait3A_93] : memref<81x128xi32, #tpu.memory_space<vmem>> -> memref<1x128xi32, #tpu.memory_space<vmem>>
      %dma_wait3A_95 = tpu.memref_squeeze %dma_wait3A_94 : memref<1x128xi32, #tpu.memory_space<vmem>> -> memref<128xi32, #tpu.memory_space<vmem>>
      %dma_wait3A_96 = arith.constant 0 : i32
      %dma_wait3A_97 = arith.constant 0 : i32
      %dma_wait3A_98 = tpu.memref_slice %arg2[%dma_wait3A_96, %dma_wait3A_97] : memref<10240x128xf32, #tpu.memory_space<hbm>> -> memref<10240x128xf32, #tpu.memory_space<hbm>>
      tpu.wait_indirect_dma semaphore(%arg13 : memref<!tpu.dma_semaphore, #tpu.memory_space<semaphore_mem>>) src(%dma_wait3A_98 : memref<10240x128xf32, #tpu.memory_space<hbm>>) dst(%arg10 : memref<128x128xf32, #tpu.memory_space<vmem>>)
      %dma_wait3A_99 = arith.constant 0 : i32
      %dma_wait3A_100 = arith.constant 0 : i32
      %dma_wait3A_101 = tpu.memref_slice %arg11[%dma_wait3A_99, %dma_wait3A_100] : memref<10240x128xf32, #tpu.memory_space<vmem_shared>> -> memref<10240x128xf32, #tpu.memory_space<vmem_shared>>
      tpu.wait_indirect_dma semaphore(%arg14 : memref<!tpu.dma_semaphore, #tpu.memory_space<semaphore_mem>>) src(%arg9 : memref<128x128xf32, #tpu.memory_space<vmem>>) dst(%dma_wait3A_101 : memref<10240x128xf32, #tpu.memory_space<vmem_shared>>)
      %add3A_102 = arith.constant 2 : i32
      %add3A_103 = arith.addi %mul3A_66, %add3A_102 : i32
      %dma_start3A_104 = arith.constant 0 : i32
      %dma_start3A_105 = tpu.memref_slice %arg4[%add3A, %add3A_103, %dma_start3A_104] : memref<32x82x128xi32, #tpu.memory_space<hbm>> -> memref<1x1x128xi32, #tpu.memory_space<hbm>>
      %dma_start3A_106 = tpu.memref_squeeze %dma_start3A_105 : memref<1x1x128xi32, #tpu.memory_space<hbm>> -> memref<128xi32, #tpu.memory_space<hbm>>
      %dma_start3A_107 = arith.constant 0 : i32
      %dma_start3A_108 = tpu.memref_slice %arg4[%add3A, %add3A_103, %dma_start3A_107] : memref<32x82x128xi32, #tpu.memory_space<hbm>> -> memref<1x1x128xi32, #tpu.memory_space<hbm>>
      %dma_start3A_109 = tpu.memref_squeeze %dma_start3A_108 : memref<1x1x128xi32, #tpu.memory_space<hbm>> -> memref<128xi32, #tpu.memory_space<hbm>>
      tpu.enqueue_dma source(%dma_start3A_109 : memref<128xi32, #tpu.memory_space<hbm>>) target(%arg7 : memref<128xi32, #tpu.memory_space<vmem>>) target_semaphore(%arg16 : memref<!tpu.dma_semaphore, #tpu.memory_space<semaphore_mem>>)
      %add3A_110 = arith.constant 2 : i32
      %add3A_111 = arith.addi %mul3A_66, %add3A_110 : i32
      %dma_start3A_112 = arith.constant 0 : i32
      %dma_start3A_113 = tpu.memref_slice %arg6[%add3A_111, %dma_start3A_112] : memref<81x128xi32, #tpu.memory_space<vmem>> -> memref<1x128xi32, #tpu.memory_space<vmem>>
      %dma_start3A_114 = tpu.memref_squeeze %dma_start3A_113 : memref<1x128xi32, #tpu.memory_space<vmem>> -> memref<128xi32, #tpu.memory_space<vmem>>
      %dma_start3A_115 = arith.constant 0 : i32
      %dma_start3A_116 = arith.constant 0 : i32
      %dma_start3A_117 = tpu.memref_slice %arg2[%dma_start3A_115, %dma_start3A_116] : memref<10240x128xf32, #tpu.memory_space<hbm>> -> memref<10240x128xf32, #tpu.memory_space<hbm>>
      tpu.enqueue_indirect_dma source(%dma_start3A_117 : memref<10240x128xf32, #tpu.memory_space<hbm>>) target(%arg9 : memref<128x128xf32, #tpu.memory_space<vmem>>) offsets(%dma_start3A_114 : memref<128xi32, #tpu.memory_space<vmem>>) semaphore(%arg12 : memref<!tpu.dma_semaphore, #tpu.memory_space<semaphore_mem>>)
      %dma_start3A_118 = arith.constant 0 : i32
      %dma_start3A_119 = arith.constant 0 : i32
      %dma_start3A_120 = tpu.memref_slice %arg11[%dma_start3A_118, %dma_start3A_119] : memref<10240x128xf32, #tpu.memory_space<vmem_shared>> -> memref<10240x128xf32, #tpu.memory_space<vmem_shared>>
      tpu.enqueue_indirect_dma source(%arg10 : memref<128x128xf32, #tpu.memory_space<vmem>>) target(%dma_start3A_120 : memref<10240x128xf32, #tpu.memory_space<vmem_shared>>) offsets(%arg8 : memref<128xi32, #tpu.memory_space<vmem>>) semaphore(%arg15 : memref<!tpu.dma_semaphore, #tpu.memory_space<semaphore_mem>>) {add = true}
      %dma_wait3A_121 = arith.constant 0 : i32
      %dma_wait3A_122 = arith.constant 0 : i32
      %dma_wait3A_123 = tpu.memref_slice %arg11[%dma_wait3A_121, %dma_wait3A_122] : memref<10240x128xf32, #tpu.memory_space<vmem_shared>> -> memref<10240x128xf32, #tpu.memory_space<vmem_shared>>
      tpu.wait_indirect_dma semaphore(%arg15 : memref<!tpu.dma_semaphore, #tpu.memory_space<semaphore_mem>>) src(%arg10 : memref<128x128xf32, #tpu.memory_space<vmem>>) dst(%dma_wait3A_123 : memref<10240x128xf32, #tpu.memory_space<vmem_shared>>)
      %add3A_124 = arith.constant 3 : i32
      %add3A_125 = arith.addi %mul3A_66, %add3A_124 : i32
      %dma_start3A_126 = arith.constant 0 : i32
      %dma_start3A_127 = tpu.memref_slice %arg4[%add3A, %add3A_125, %dma_start3A_126] : memref<32x82x128xi32, #tpu.memory_space<hbm>> -> memref<1x1x128xi32, #tpu.memory_space<hbm>>
      %dma_start3A_128 = tpu.memref_squeeze %dma_start3A_127 : memref<1x1x128xi32, #tpu.memory_space<hbm>> -> memref<128xi32, #tpu.memory_space<hbm>>
      %dma_start3A_129 = arith.constant 0 : i32
      %dma_start3A_130 = tpu.memref_slice %arg4[%add3A, %add3A_125, %dma_start3A_129] : memref<32x82x128xi32, #tpu.memory_space<hbm>> -> memref<1x1x128xi32, #tpu.memory_space<hbm>>
      %dma_start3A_131 = tpu.memref_squeeze %dma_start3A_130 : memref<1x1x128xi32, #tpu.memory_space<hbm>> -> memref<128xi32, #tpu.memory_space<hbm>>
      tpu.enqueue_dma source(%dma_start3A_131 : memref<128xi32, #tpu.memory_space<hbm>>) target(%arg8 : memref<128xi32, #tpu.memory_space<vmem>>) target_semaphore(%arg17 : memref<!tpu.dma_semaphore, #tpu.memory_space<semaphore_mem>>)
      %dma_wait3A_132 = arith.constant 0 : i32
      %dma_wait3A_133 = arith.constant 0 : i32
      %dma_wait3A_134 = tpu.memref_slice %arg4[%add3A, %dma_wait3A_132, %dma_wait3A_133] : memref<32x82x128xi32, #tpu.memory_space<hbm>> -> memref<1x1x128xi32, #tpu.memory_space<hbm>>
      %dma_wait3A_135 = tpu.memref_squeeze %dma_wait3A_134 : memref<1x1x128xi32, #tpu.memory_space<hbm>> -> memref<128xi32, #tpu.memory_space<hbm>>
      %dma_wait3A_136 = arith.constant 0 : i32
      %dma_wait3A_137 = tpu.memref_slice %arg4[%add3A, %dma_wait3A_132, %dma_wait3A_136] : memref<32x82x128xi32, #tpu.memory_space<hbm>> -> memref<1x1x128xi32, #tpu.memory_space<hbm>>
      %dma_wait3A_138 = tpu.memref_squeeze %dma_wait3A_137 : memref<1x1x128xi32, #tpu.memory_space<hbm>> -> memref<128xi32, #tpu.memory_space<hbm>>
      tpu.wait_dma2 semaphore(%arg16 : memref<!tpu.dma_semaphore, #tpu.memory_space<semaphore_mem>>) src(%dma_wait3A_138 : memref<128xi32, #tpu.memory_space<hbm>>) dst(%arg7 : memref<128xi32, #tpu.memory_space<vmem>>)
      %scan3A_139 = arith.constant 0 : i32
      scf.yield %scan3A_139 : i32
    }
    %scan3A_46 = arith.constant 40 : i32
    %dma_wait3A = arith.constant 0 : i32
    %dma_wait3A_47 = arith.constant 0 : i32
    %dma_wait3A_48 = tpu.memref_slice %arg6[%dma_wait3A, %dma_wait3A_47] : memref<81x128xi32, #tpu.memory_space<vmem>> -> memref<1x128xi32, #tpu.memory_space<vmem>>
    %dma_wait3A_49 = tpu.memref_squeeze %dma_wait3A_48 : memref<1x128xi32, #tpu.memory_space<vmem>> -> memref<128xi32, #tpu.memory_space<vmem>>
    %dma_wait3A_50 = arith.constant 0 : i32
    %dma_wait3A_51 = arith.constant 0 : i32
    %dma_wait3A_52 = tpu.memref_slice %arg2[%dma_wait3A_50, %dma_wait3A_51] : memref<10240x128xf32, #tpu.memory_space<hbm>> -> memref<10240x128xf32, #tpu.memory_space<hbm>>
    tpu.wait_indirect_dma semaphore(%arg12 : memref<!tpu.dma_semaphore, #tpu.memory_space<semaphore_mem>>) src(%dma_wait3A_52 : memref<10240x128xf32, #tpu.memory_space<hbm>>) dst(%arg9 : memref<128x128xf32, #tpu.memory_space<vmem>>)
    %dma_wait3A_53 = arith.constant 0 : i32
    %dma_wait3A_54 = arith.constant 0 : i32
    %dma_wait3A_55 = tpu.memref_slice %arg4[%add3A, %dma_wait3A_53, %dma_wait3A_54] : memref<32x82x128xi32, #tpu.memory_space<hbm>> -> memref<1x1x128xi32, #tpu.memory_space<hbm>>
    %dma_wait3A_56 = tpu.memref_squeeze %dma_wait3A_55 : memref<1x1x128xi32, #tpu.memory_space<hbm>> -> memref<128xi32, #tpu.memory_space<hbm>>
    %dma_wait3A_57 = arith.constant 0 : i32
    %dma_wait3A_58 = tpu.memref_slice %arg4[%add3A, %dma_wait3A_53, %dma_wait3A_57] : memref<32x82x128xi32, #tpu.memory_space<hbm>> -> memref<1x1x128xi32, #tpu.memory_space<hbm>>
    %dma_wait3A_59 = tpu.memref_squeeze %dma_wait3A_58 : memref<1x1x128xi32, #tpu.memory_space<hbm>> -> memref<128xi32, #tpu.memory_space<hbm>>
    tpu.wait_dma2 semaphore(%arg17 : memref<!tpu.dma_semaphore, #tpu.memory_space<semaphore_mem>>) src(%dma_wait3A_59 : memref<128xi32, #tpu.memory_space<hbm>>) dst(%arg8 : memref<128xi32, #tpu.memory_space<vmem>>)
    %barrier3A_60 = arith.constant 0 : index
    tpu.barrier barrier_id(%barrier3A_60)
    %mul3A_61 = arith.constant 640 : i32
    %mul3A_62 = arith.muli %arg1, %mul3A_61 : i32
    "tpu.region"() ({
      %run_scoped3A_63 = tpu.sem_alloc : memref<!tpu.dma_semaphore, #tpu.memory_space<semaphore_mem>>
      %dma_start3A_64 = arith.constant 0 : i32
      %dma_start3A_65 = tpu.memref_slice %arg5[%arg0, %mul3A_62, %dma_start3A_64] : memref<2x10240x128xf32, #tpu.memory_space<hbm>> -> memref<1x640x128xf32, #tpu.memory_space<hbm>>
      %dma_start3A_66 = tpu.memref_squeeze %dma_start3A_65 : memref<1x640x128xf32, #tpu.memory_space<hbm>> -> memref<640x128xf32, #tpu.memory_space<hbm>>
      %dma_start3A_67 = arith.constant 0 : i32
      %dma_start3A_68 = tpu.memref_slice %arg11[%mul3A_62, %dma_start3A_67] : memref<10240x128xf32, #tpu.memory_space<vmem_shared>> -> memref<640x128xf32, #tpu.memory_space<vmem_shared>>
      tpu.enqueue_dma source(%dma_start3A_68 : memref<640x128xf32, #tpu.memory_space<vmem_shared>>) target(%dma_start3A_66 : memref<640x128xf32, #tpu.memory_space<hbm>>) target_semaphore(%run_scoped3A_63 : memref<!tpu.dma_semaphore, #tpu.memory_space<semaphore_mem>>)
      %dma_wait3A_69 = arith.constant 0 : i32
      %dma_wait3A_70 = tpu.memref_slice %arg5[%arg0, %mul3A_62, %dma_wait3A_69] : memref<2x10240x128xf32, #tpu.memory_space<hbm>> -> memref<1x640x128xf32, #tpu.memory_space<hbm>>
      %dma_wait3A_71 = tpu.memref_squeeze %dma_wait3A_70 : memref<1x640x128xf32, #tpu.memory_space<hbm>> -> memref<640x128xf32, #tpu.memory_space<hbm>>
      %dma_wait3A_72 = arith.constant 0 : i32
      %dma_wait3A_73 = tpu.memref_slice %arg11[%mul3A_62, %dma_wait3A_72] : memref<10240x128xf32, #tpu.memory_space<vmem_shared>> -> memref<640x128xf32, #tpu.memory_space<vmem_shared>>
      tpu.wait_dma2 semaphore(%run_scoped3A_63 : memref<!tpu.dma_semaphore, #tpu.memory_space<semaphore_mem>>) src(%dma_wait3A_73 : memref<640x128xf32, #tpu.memory_space<vmem_shared>>) dst(%dma_wait3A_71 : memref<640x128xf32, #tpu.memory_space<hbm>>)
      tpu.yield
    }) : () -> ()
    return
  }
}

module attributes {stable_mosaic.version = 14 : i64} {
  func.func @_tc_prep_body(%arg0: i32, %arg1: memref<256x2xf32, #tpu.memory_space<vmem>>, %arg2: memref<256x2xf32, #tpu.memory_space<vmem>>, %arg3: memref<2x128xf32, #tpu.memory_space<vmem>>, %arg4: memref<256x128xf32, #tpu.memory_space<vmem>>) attributes {dimension_semantics = [#tpu.dimension_semantics<arbitrary>], iteration_bounds = array<i64: 40>, scalar_prefetch = 0 : i64, scratch_operands = 0 : i64, tpu.core_type = #tpu.core_type<tc>, window_params = [{transform_indices = @transform_0, window_bounds = array<i64: 256, 2>}, {transform_indices = @transform_1, window_bounds = array<i64: 256, 2>}, {pipeline_mode = #tpu.pipeline_mode<synchronous>, transform_indices = @transform_2, window_bounds = array<i64: 2, 128>}, {transform_indices = @transform_3, window_bounds = array<i64: 256, 128>}]} {
    %get3A = arith.constant 0 : index
    %get3A_0 = arith.constant 0 : index
    %get3A_1 = vector.load %arg2[%get3A, %get3A_0] : memref<256x2xf32, #tpu.memory_space<vmem>>, vector<256x1xf32>
    %get3A_2 = arith.constant 0 : index
    %get3A_3 = arith.constant 1 : index
    %get3A_4 = vector.load %arg2[%get3A_2, %get3A_3] : memref<256x2xf32, #tpu.memory_space<vmem>>, vector<256x1xf32>
    %add3A = arith.addf %get3A_1, %get3A_4 : vector<256x1xf32>
    %add3A_5 = arith.constant 1.000000e+00 : f32
    %add3A_6 = vector.broadcast %add3A_5 : f32 to vector<256x1xf32>
    %add3A_7 = arith.addf %add3A, %add3A_6 : vector<256x1xf32>
    %rsqrt3A = math.rsqrt %add3A_7 : vector<256x1xf32>
    %get3A_8 = arith.constant 0 : index
    %get3A_9 = arith.constant 0 : index
    %get3A_10 = vector.load %arg1[%get3A_8, %get3A_9] : memref<256x2xf32, #tpu.memory_space<vmem>>, vector<256x1xf32>
    %get3A_11 = arith.constant 0 : index
    %get3A_12 = arith.constant 0 : index
    %get3A_13 = vector.load %arg3[%get3A_11, %get3A_12] : memref<2x128xf32, #tpu.memory_space<vmem>>, vector<1x128xf32>
    %mul3A = vector.broadcast %get3A_10 : vector<256x1xf32> to vector<256x128xf32>
    %mul3A_14 = vector.broadcast %get3A_13 : vector<1x128xf32> to vector<256x128xf32>
    %mul3A_15 = arith.mulf %mul3A, %mul3A_14 : vector<256x128xf32>
    %get3A_16 = arith.constant 0 : index
    %get3A_17 = arith.constant 1 : index
    %get3A_18 = vector.load %arg1[%get3A_16, %get3A_17] : memref<256x2xf32, #tpu.memory_space<vmem>>, vector<256x1xf32>
    %get3A_19 = arith.constant 1 : index
    %get3A_20 = arith.constant 0 : index
    %get3A_21 = vector.load %arg3[%get3A_19, %get3A_20] : memref<2x128xf32, #tpu.memory_space<vmem>>, vector<1x128xf32>
    %mul3A_22 = vector.broadcast %get3A_18 : vector<256x1xf32> to vector<256x128xf32>
    %mul3A_23 = vector.broadcast %get3A_21 : vector<1x128xf32> to vector<256x128xf32>
    %mul3A_24 = arith.mulf %mul3A_22, %mul3A_23 : vector<256x128xf32>
    %add3A_25 = arith.addf %mul3A_15, %mul3A_24 : vector<256x128xf32>
    %mul3A_26 = vector.broadcast %rsqrt3A : vector<256x1xf32> to vector<256x128xf32>
    %mul3A_27 = arith.mulf %add3A_25, %mul3A_26 : vector<256x128xf32>
    %swap3A = arith.constant 0 : index
    %swap3A_28 = arith.constant 0 : index
    %swap3A_29 = vector.load %arg4[%swap3A, %swap3A_28] : memref<256x128xf32, #tpu.memory_space<vmem>>, vector<256x128xf32>
    tpu.vector_store %arg4[%swap3A, %swap3A_28], %mul3A_27 {strides = array<i32>} : memref<256x128xf32, #tpu.memory_space<vmem>>, vector<256x128xf32>,
    return
  }
  func.func @transform_0(%arg0: i32) -> (i32, i32) {
    %c0_i32 = arith.constant 0 : i32
    %c0_i32_0 = arith.constant 0 : i32
    return %arg0, %c0_i32 : i32, i32
  }
  func.func @transform_1(%arg0: i32) -> (i32, i32) {
    %c0_i32 = arith.constant 0 : i32
    %c0_i32_0 = arith.constant 0 : i32
    return %arg0, %c0_i32 : i32, i32
  }
  func.func @transform_2(%arg0: i32) -> (i32, i32) {
    %c0_i32 = arith.constant 0 : i32
    %c0_i32_0 = arith.constant 0 : i32
    %c0_i32_1 = arith.constant 0 : i32
    return %c0_i32, %c0_i32_0 : i32, i32
  }
  func.func @transform_3(%arg0: i32) -> (i32, i32) {
    %c0_i32 = arith.constant 0 : i32
    %c0_i32_0 = arith.constant 0 : i32
    return %arg0, %c0_i32 : i32, i32
  }
}

module attributes {stable_mosaic.version = 14 : i64} {
  func.func @_tc_mid_body(%arg0: i32, %arg1: memref<256x128xf32, #tpu.memory_space<vmem>>, %arg2: memref<2x256x128xf32, #tpu.memory_space<vmem>>, %arg3: memref<256x2xf32, #tpu.memory_space<vmem>>, %arg4: memref<1x128xf32, #tpu.memory_space<vmem>>, %arg5: memref<128x128xf32, #tpu.memory_space<vmem>>, %arg6: memref<256x128xf32, #tpu.memory_space<vmem>>) attributes {dimension_semantics = [#tpu.dimension_semantics<arbitrary>], iteration_bounds = array<i64: 40>, scalar_prefetch = 0 : i64, scratch_operands = 0 : i64, tpu.core_type = #tpu.core_type<tc>, window_params = [{transform_indices = @transform_0, window_bounds = array<i64: 256, 128>}, {transform_indices = @transform_1, window_bounds = array<i64: 2, 256, 128>}, {transform_indices = @transform_2, window_bounds = array<i64: 256, 2>}, {pipeline_mode = #tpu.pipeline_mode<synchronous>, transform_indices = @transform_3, window_bounds = array<i64: 1, 128>}, {pipeline_mode = #tpu.pipeline_mode<synchronous>, transform_indices = @transform_4, window_bounds = array<i64: 128, 128>}, {transform_indices = @transform_5, window_bounds = array<i64: 256, 128>}]} {
    %get3A = arith.constant 0 : index
    %get3A_0 = arith.constant 0 : index
    %get3A_1 = vector.load %arg3[%get3A, %get3A_0] : memref<256x2xf32, #tpu.memory_space<vmem>>, vector<256x1xf32>
    %get3A_2 = arith.constant 0 : index
    %get3A_3 = arith.constant 1 : index
    %get3A_4 = vector.load %arg3[%get3A_2, %get3A_3] : memref<256x2xf32, #tpu.memory_space<vmem>>, vector<256x1xf32>
    %add3A = arith.addf %get3A_1, %get3A_4 : vector<256x1xf32>
    %add3A_5 = arith.constant 1.000000e+00 : f32
    %add3A_6 = vector.broadcast %add3A_5 : f32 to vector<256x1xf32>
    %add3A_7 = arith.addf %add3A, %add3A_6 : vector<256x1xf32>
    %rsqrt3A = math.rsqrt %add3A_7 : vector<256x1xf32>
    %get3A_8 = arith.constant 0 : index
    %get3A_9 = arith.constant 0 : index
    %get3A_10 = arith.constant 0 : index
    %get3A_11 = vector.load %arg2[%get3A_8, %get3A_9, %get3A_10] : memref<2x256x128xf32, #tpu.memory_space<vmem>>, vector<1x256x128xf32>
    %get3A_12 = vector.shape_cast %get3A_11 : vector<1x256x128xf32> to vector<256x128xf32>
    %get3A_13 = arith.constant 1 : index
    %get3A_14 = arith.constant 0 : index
    %get3A_15 = arith.constant 0 : index
    %get3A_16 = vector.load %arg2[%get3A_13, %get3A_14, %get3A_15] : memref<2x256x128xf32, #tpu.memory_space<vmem>>, vector<1x256x128xf32>
    %get3A_17 = vector.shape_cast %get3A_16 : vector<1x256x128xf32> to vector<256x128xf32>
    %add3A_18 = arith.addf %get3A_12, %get3A_17 : vector<256x128xf32>
    %get3A_19 = arith.constant 0 : index
    %get3A_20 = arith.constant 0 : index
    %get3A_21 = vector.load %arg1[%get3A_19, %get3A_20] : memref<256x128xf32, #tpu.memory_space<vmem>>, vector<256x128xf32>
    %add3A_22 = arith.addf %add3A_18, %get3A_21 : vector<256x128xf32>
    %mul3A = vector.broadcast %rsqrt3A : vector<256x1xf32> to vector<256x128xf32>
    %mul3A_23 = arith.mulf %add3A_22, %mul3A : vector<256x128xf32>
    %get3A_24 = arith.constant 0 : index
    %get3A_25 = arith.constant 0 : index
    %get3A_26 = vector.load %arg4[%get3A_24, %get3A_25] : memref<1x128xf32, #tpu.memory_space<vmem>>, vector<1x128xf32>
    %add3A_27 = vector.broadcast %get3A_26 : vector<1x128xf32> to vector<256x128xf32>
    %add3A_28 = arith.addf %mul3A_23, %add3A_27 : vector<256x128xf32>
    %max3A = arith.constant 0.000000e+00 : f32
    %max3A_29 = vector.broadcast %max3A : f32 to vector<256x128xf32>
    %max3A_30 = arith.maximumf %add3A_28, %max3A_29 : vector<256x128xf32>
    %get3A_31 = arith.constant 0 : index
    %get3A_32 = arith.constant 0 : index
    %get3A_33 = vector.load %arg5[%get3A_31, %get3A_32] : memref<128x128xf32, #tpu.memory_space<vmem>>, vector<128x128xf32>
    %dot_general3A = arith.constant dense<0.000000e+00> : vector<256x128xf32>
    %dot_general3A_34 = tpu.matmul %max3A_30, %get3A_33, %dot_general3A {dimension_numbers = #tpu.dot_dimension_numbers<[1], [0], [0], [1], [0, 0, 1, 1], [], []>, transpose_lhs_hint = false} : vector<256x128xf32>, vector<128x128xf32>, vector<256x128xf32> -> vector<256x128xf32>
    %mul3A_35 = vector.broadcast %rsqrt3A : vector<256x1xf32> to vector<256x128xf32>
    %mul3A_36 = arith.mulf %dot_general3A_34, %mul3A_35 : vector<256x128xf32>
    %swap3A = arith.constant 0 : index
    %swap3A_37 = arith.constant 0 : index
    %swap3A_38 = vector.load %arg6[%swap3A, %swap3A_37] : memref<256x128xf32, #tpu.memory_space<vmem>>, vector<256x128xf32>
    tpu.vector_store %arg6[%swap3A, %swap3A_37], %mul3A_36 {strides = array<i32>} : memref<256x128xf32, #tpu.memory_space<vmem>>, vector<256x128xf32>,
    return
  }
  func.func @transform_0(%arg0: i32) -> (i32, i32) {
    %c0_i32 = arith.constant 0 : i32
    %c0_i32_0 = arith.constant 0 : i32
    return %arg0, %c0_i32 : i32, i32
  }
  func.func @transform_1(%arg0: i32) -> (i32, i32, i32) {
    %c0_i32 = arith.constant 0 : i32
    %c0_i32_0 = arith.constant 0 : i32
    %c0_i32_1 = arith.constant 0 : i32
    return %c0_i32, %arg0, %c0_i32_0 : i32, i32, i32
  }
  func.func @transform_2(%arg0: i32) -> (i32, i32) {
    %c0_i32 = arith.constant 0 : i32
    %c0_i32_0 = arith.constant 0 : i32
    return %arg0, %c0_i32 : i32, i32
  }
  func.func @transform_3(%arg0: i32) -> (i32, i32) {
    %c0_i32 = arith.constant 0 : i32
    %c0_i32_0 = arith.constant 0 : i32
    %c0_i32_1 = arith.constant 0 : i32
    return %c0_i32, %c0_i32_0 : i32, i32
  }
  func.func @transform_4(%arg0: i32) -> (i32, i32) {
    %c0_i32 = arith.constant 0 : i32
    %c0_i32_0 = arith.constant 0 : i32
    %c0_i32_1 = arith.constant 0 : i32
    return %c0_i32, %c0_i32_0 : i32, i32
  }
  func.func @transform_5(%arg0: i32) -> (i32, i32) {
    %c0_i32 = arith.constant 0 : i32
    %c0_i32_0 = arith.constant 0 : i32
    return %arg0, %c0_i32 : i32, i32
  }
}

module attributes {stable_mosaic.version = 14 : i64} {
  func.func @_tc_final_body(%arg0: i32, %arg1: memref<256x128xf32, #tpu.memory_space<vmem>>, %arg2: memref<2x256x128xf32, #tpu.memory_space<vmem>>, %arg3: memref<256x2xf32, #tpu.memory_space<vmem>>, %arg4: memref<1x128xf32, #tpu.memory_space<vmem>>, %arg5: memref<1x1x256xi32, #tpu.memory_space<vmem>>, %arg6: memref<16x128xf32, #tpu.memory_space<vmem>>, %arg7: memref<16x128xf32, #tpu.memory_space<vmem>>, %arg8: memref<16x128xf32, #tpu.memory_space<vmem>>) attributes {dimension_semantics = [#tpu.dimension_semantics<arbitrary>], iteration_bounds = array<i64: 40>, scalar_prefetch = 0 : i64, scratch_operands = 2 : i64, tpu.core_type = #tpu.core_type<tc>, window_params = [{transform_indices = @transform_0, window_bounds = array<i64: 256, 128>}, {transform_indices = @transform_1, window_bounds = array<i64: 2, 256, 128>}, {transform_indices = @transform_2, window_bounds = array<i64: 256, 2>}, {pipeline_mode = #tpu.pipeline_mode<synchronous>, transform_indices = @transform_3, window_bounds = array<i64: 1, 128>}, {transform_indices = @transform_4, window_bounds = array<i64: 1, 1, 256>}, {pipeline_mode = #tpu.pipeline_mode<synchronous>, transform_indices = @transform_5, window_bounds = array<i64: 16, 128>}]} {
    %eq3A = arith.constant 0 : i32
    %eq3A_0 = arith.cmpi eq, %arg0, %eq3A : i32
    %convert_element_type3A = arith.extui %eq3A_0 : i1 to i32
    %cond3A = arith.constant 0 : i32
    %cond3A_1 = arith.cmpi ne, %convert_element_type3A, %cond3A : i32
    scf.if %cond3A_1 {
      %broadcast_in_dim3A_63 = arith.constant 0.000000e+00 : f32
      %broadcast_in_dim3A_64 = vector.broadcast %broadcast_in_dim3A_63 : f32 to vector<16x128xf32>
      %swap3A_65 = arith.constant 0 : index
      %swap3A_66 = arith.constant 0 : index
      %swap3A_67 = vector.load %arg7[%swap3A_65, %swap3A_66] : memref<16x128xf32, #tpu.memory_space<vmem>>, vector<16x128xf32>
      tpu.vector_store %arg7[%swap3A_65, %swap3A_66], %broadcast_in_dim3A_64 {strides = array<i32>} : memref<16x128xf32, #tpu.memory_space<vmem>>, vector<16x128xf32>,
      %broadcast_in_dim3A_68 = arith.constant 0.000000e+00 : f32
      %broadcast_in_dim3A_69 = vector.broadcast %broadcast_in_dim3A_68 : f32 to vector<16x128xf32>
      %swap3A_70 = arith.constant 0 : index
      %swap3A_71 = arith.constant 0 : index
      %swap3A_72 = vector.load %arg8[%swap3A_70, %swap3A_71] : memref<16x128xf32, #tpu.memory_space<vmem>>, vector<16x128xf32>
      tpu.vector_store %arg8[%swap3A_70, %swap3A_71], %broadcast_in_dim3A_69 {strides = array<i32>} : memref<16x128xf32, #tpu.memory_space<vmem>>, vector<16x128xf32>,
    } else {
    }
    %get3A = arith.constant 0 : index
    %get3A_2 = arith.constant 0 : index
    %get3A_3 = vector.load %arg3[%get3A, %get3A_2] : memref<256x2xf32, #tpu.memory_space<vmem>>, vector<256x1xf32>
    %get3A_4 = arith.constant 0 : index
    %get3A_5 = arith.constant 1 : index
    %get3A_6 = vector.load %arg3[%get3A_4, %get3A_5] : memref<256x2xf32, #tpu.memory_space<vmem>>, vector<256x1xf32>
    %add3A = arith.addf %get3A_3, %get3A_6 : vector<256x1xf32>
    %add3A_7 = arith.constant 1.000000e+00 : f32
    %add3A_8 = vector.broadcast %add3A_7 : f32 to vector<256x1xf32>
    %add3A_9 = arith.addf %add3A, %add3A_8 : vector<256x1xf32>
    %rsqrt3A = math.rsqrt %add3A_9 : vector<256x1xf32>
    %get3A_10 = arith.constant 0 : index
    %get3A_11 = arith.constant 0 : index
    %get3A_12 = arith.constant 0 : index
    %get3A_13 = vector.load %arg2[%get3A_10, %get3A_11, %get3A_12] : memref<2x256x128xf32, #tpu.memory_space<vmem>>, vector<1x256x128xf32>
    %get3A_14 = vector.shape_cast %get3A_13 : vector<1x256x128xf32> to vector<256x128xf32>
    %get3A_15 = arith.constant 1 : index
    %get3A_16 = arith.constant 0 : index
    %get3A_17 = arith.constant 0 : index
    %get3A_18 = vector.load %arg2[%get3A_15, %get3A_16, %get3A_17] : memref<2x256x128xf32, #tpu.memory_space<vmem>>, vector<1x256x128xf32>
    %get3A_19 = vector.shape_cast %get3A_18 : vector<1x256x128xf32> to vector<256x128xf32>
    %add3A_20 = arith.addf %get3A_14, %get3A_19 : vector<256x128xf32>
    %get3A_21 = arith.constant 0 : index
    %get3A_22 = arith.constant 0 : index
    %get3A_23 = vector.load %arg1[%get3A_21, %get3A_22] : memref<256x128xf32, #tpu.memory_space<vmem>>, vector<256x128xf32>
    %add3A_24 = arith.addf %add3A_20, %get3A_23 : vector<256x128xf32>
    %mul3A = vector.broadcast %rsqrt3A : vector<256x1xf32> to vector<256x128xf32>
    %mul3A_25 = arith.mulf %add3A_24, %mul3A : vector<256x128xf32>
    %get3A_26 = arith.constant 0 : index
    %get3A_27 = arith.constant 0 : index
    %get3A_28 = vector.load %arg4[%get3A_26, %get3A_27] : memref<1x128xf32, #tpu.memory_space<vmem>>, vector<1x128xf32>
    %add3A_29 = vector.broadcast %get3A_28 : vector<1x128xf32> to vector<256x128xf32>
    %add3A_30 = arith.addf %mul3A_25, %add3A_29 : vector<256x128xf32>
    %get3A_31 = arith.constant 0 : index
    %get3A_32 = arith.constant 0 : index
    %get3A_33 = arith.constant 0 : index
    %get3A_34 = vector.load %arg5[%get3A_31, %get3A_32, %get3A_33] : memref<1x1x256xi32, #tpu.memory_space<vmem>>, vector<1x1x256xi32>
    %get3A_35 = vector.shape_cast %get3A_34 : vector<1x1x256xi32> to vector<256xi32>
    %iota3A = tpu.iota {dimensions = array<i32: 0>} : vector<16x256xi32>
    %broadcast_in_dim3A = vector.shape_cast %get3A_35 : vector<256xi32> to vector<1x256xi32>
    %eq3A_36 = vector.broadcast %broadcast_in_dim3A : vector<1x256xi32> to vector<16x256xi32>
    %eq3A_37 = arith.cmpi eq, %iota3A, %eq3A_36 : vector<16x256xi32>
    %convert_element_type3A_38 = arith.extui %eq3A_37 : vector<16x256xi1> to vector<16x256xi32>
    %convert_element_type3A_39 = arith.sitofp %convert_element_type3A_38 : vector<16x256xi32> to vector<16x256xf32>
    %get3A_40 = arith.constant 0 : index
    %get3A_41 = arith.constant 0 : index
    %get3A_42 = vector.load %arg7[%get3A_40, %get3A_41] : memref<16x128xf32, #tpu.memory_space<vmem>>, vector<16x128xf32>
    %dot_general3A = arith.constant dense<0.000000e+00> : vector<16x128xf32>
    %dot_general3A_43 = tpu.matmul %convert_element_type3A_39, %add3A_30, %dot_general3A {dimension_numbers = #tpu.dot_dimension_numbers<[1], [0], [0], [1], [0, 0, 1, 1], [], []>, transpose_lhs_hint = false} : vector<16x256xf32>, vector<256x128xf32>, vector<16x128xf32> -> vector<16x128xf32>
    %add3A_44 = arith.addf %get3A_42, %dot_general3A_43 : vector<16x128xf32>
    %swap3A = arith.constant 0 : index
    %swap3A_45 = arith.constant 0 : index
    %swap3A_46 = vector.load %arg7[%swap3A, %swap3A_45] : memref<16x128xf32, #tpu.memory_space<vmem>>, vector<16x128xf32>
    tpu.vector_store %arg7[%swap3A, %swap3A_45], %add3A_44 {strides = array<i32>} : memref<16x128xf32, #tpu.memory_space<vmem>>, vector<16x128xf32>,
    %get3A_47 = arith.constant 0 : index
    %get3A_48 = arith.constant 0 : index
    %get3A_49 = vector.load %arg8[%get3A_47, %get3A_48] : memref<16x128xf32, #tpu.memory_space<vmem>>, vector<16x128xf32>
    %broadcast_in_dim3A_50 = arith.constant 1.000000e+00 : f32
    %broadcast_in_dim3A_51 = vector.broadcast %broadcast_in_dim3A_50 : f32 to vector<256x128xf32>
    %dot_general3A_52 = arith.constant dense<0.000000e+00> : vector<16x128xf32>
    %dot_general3A_53 = tpu.matmul %convert_element_type3A_39, %broadcast_in_dim3A_51, %dot_general3A_52 {dimension_numbers = #tpu.dot_dimension_numbers<[1], [0], [0], [1], [0, 0, 1, 1], [], []>, transpose_lhs_hint = false} : vector<16x256xf32>, vector<256x128xf32>, vector<16x128xf32> -> vector<16x128xf32>
    %add3A_54 = arith.addf %get3A_49, %dot_general3A_53 : vector<16x128xf32>
    %swap3A_55 = arith.constant 0 : index
    %swap3A_56 = arith.constant 0 : index
    %swap3A_57 = vector.load %arg8[%swap3A_55, %swap3A_56] : memref<16x128xf32, #tpu.memory_space<vmem>>, vector<16x128xf32>
    tpu.vector_store %arg8[%swap3A_55, %swap3A_56], %add3A_54 {strides = array<i32>} : memref<16x128xf32, #tpu.memory_space<vmem>>, vector<16x128xf32>,
    %eq3A_58 = arith.constant 39 : i32
    %eq3A_59 = arith.cmpi eq, %arg0, %eq3A_58 : i32
    %convert_element_type3A_60 = arith.extui %eq3A_59 : i1 to i32
    %cond3A_61 = arith.constant 0 : i32
    %cond3A_62 = arith.cmpi ne, %convert_element_type3A_60, %cond3A_61 : i32
    scf.if %cond3A_62 {
      %get3A_63 = arith.constant 0 : index
      %get3A_64 = arith.constant 0 : index
      %get3A_65 = vector.load %arg7[%get3A_63, %get3A_64] : memref<16x128xf32, #tpu.memory_space<vmem>>, vector<16x128xf32>
      %get3A_66 = arith.constant 0 : index
      %get3A_67 = arith.constant 0 : index
      %get3A_68 = vector.load %arg8[%get3A_66, %get3A_67] : memref<16x128xf32, #tpu.memory_space<vmem>>, vector<16x128xf32>
      %max3A = arith.constant 1.000000e+00 : f32
      %max3A_69 = vector.broadcast %max3A : f32 to vector<16x128xf32>
      %max3A_70 = arith.maximumf %get3A_68, %max3A_69 : vector<16x128xf32>
      %div3A = arith.divf %get3A_65, %max3A_70 : vector<16x128xf32>
      %swap3A_71 = arith.constant 0 : index
      %swap3A_72 = arith.constant 0 : index
      %swap3A_73 = vector.load %arg6[%swap3A_71, %swap3A_72] : memref<16x128xf32, #tpu.memory_space<vmem>>, vector<16x128xf32>
      tpu.vector_store %arg6[%swap3A_71, %swap3A_72], %div3A {strides = array<i32>} : memref<16x128xf32, #tpu.memory_space<vmem>>, vector<16x128xf32>,
    } else {
    }
    return
  }
  func.func @transform_0(%arg0: i32) -> (i32, i32) {
    %c0_i32 = arith.constant 0 : i32
    %c0_i32_0 = arith.constant 0 : i32
    return %arg0, %c0_i32 : i32, i32
  }
  func.func @transform_1(%arg0: i32) -> (i32, i32, i32) {
    %c0_i32 = arith.constant 0 : i32
    %c0_i32_0 = arith.constant 0 : i32
    %c0_i32_1 = arith.constant 0 : i32
    return %c0_i32, %arg0, %c0_i32_0 : i32, i32, i32
  }
  func.func @transform_2(%arg0: i32) -> (i32, i32) {
    %c0_i32 = arith.constant 0 : i32
    %c0_i32_0 = arith.constant 0 : i32
    return %arg0, %c0_i32 : i32, i32
  }
  func.func @transform_3(%arg0: i32) -> (i32, i32) {
    %c0_i32 = arith.constant 0 : i32
    %c0_i32_0 = arith.constant 0 : i32
    %c0_i32_1 = arith.constant 0 : i32
    return %c0_i32, %c0_i32_0 : i32, i32
  }
  func.func @transform_4(%arg0: i32) -> (i32, i32, i32) {
    %c0_i32 = arith.constant 0 : i32
    %c0_i32_0 = arith.constant 0 : i32
    %c0_i32_1 = arith.constant 0 : i32
    return %arg0, %c0_i32, %c0_i32_0 : i32, i32, i32
  }
  func.func @transform_5(%arg0: i32) -> (i32, i32) {
    %c0_i32 = arith.constant 0 : i32
    %c0_i32_0 = arith.constant 0 : i32
    %c0_i32_1 = arith.constant 0 : i32
    return %c0_i32, %c0_i32_0 : i32, i32
  }
}

</mosaic_0001>

<sc_bundles>
// kernel: kernel.11.cloned.1.call-start
scs
__scs_entry_jumppad:
0x0: {  	(pc) =	sbr.rel $0x88, $3  }
0x1: {  	(tag) =	ssettag $0x0;
	lr =	simm.s32 $0x1  }
0x2: {  	[smem:$0x3F99] =	sst lr;
	_ =	strace $0xD0000000  }
0x3: {  	_ = 	snop  }
0x4: {  	_ = 	snop  }
0x5: {  	_ = 	snop  }
0x6: {  	_ = 	snop  }
0x7: {  	_ = 	snop  }
__scs_overlays_trampoline_lowered:
0x8: {  	[smem:$0x3FA8] =	sst s0  }
0x9: {  	[smem:$0x3FA9] =	sst s1  }
0xa: {  	[smem:$0x3FAA] =	sst s2  }
0xb: {  	[smem:$0x3FAB] =	sst s3  }
0xc: {  	[smem:$0x3FAC] =	sst s4  }
0xd: {  	[smem:$0x3FAD] =	sst s5  }
0xe: {  	[smem:$0x3FAE] =	sst s6  }
0xf: {  	[smem:$0x3FAF] =	sst s7  }
0x10: {  	[smem:$0x3FB0] =	sst s8  }
0x11: {  	[smem:$0x3FB1] =	sst s9;
	s0 =	simm.s32 @!p0 $0x0  }
0x12: {  	s1 =	sld [smem:$0x3F97];
	s0 =	simm.s32 @p0 $0x1  }
0x13: {  	[smem:$0x3FB2] =	sst s0;
	s0 =	simm.s32 @!p1 $0x0  }
0x14: {  	s2 =	sld [smem:$0x3F96];
	s0 =	simm.s32 @p1 $0x1  }
0x15: {  	[smem:$0x3FB3] =	sst s0;
	s0 =	simm.s32 @!p2 $0x0  }
0x16: {  	s3 =	sld [smem:$0x3FDB];
	s0 =	simm.s32 @p2 $0x1  }
0x17: {  	s4 =	simm.s32 $0x1BF5;
	[smem:$0x3FB5] =	sst s0  }
0x18: {  	s0 =	sld [smem:$0x3F98];
	_ =	swait.ge [sflag:s4], $0x0  }
0x19: {  	s7 =	sld [smem:$0x3F99]  }
0x1a: {  	s8 =	sadd.s32 $0xFFFFE003, lr  }
0x1b: {  	s9 =	sadd.s32 $0xFFFFFEF7, lr;
	s5 =	simm.s32 $0xFFFFFFFF;
	p2 =	slt.u32 s8, $0xFFFFF086  }
0x1c: {  	p1 =	slt.u32 s9, $0xF7A;
	s5 =	simm.s32 @!p2 $0x0  }
0x1d: {  	s5 =	simm.s32 @p1 $0x1;
	p0 =	seq.s32 s7, s2  }
0x1e: {  	s7 =	smul.u32 @!p0 $0xF7A, s2;
	p2 =	seq.s32 @!p0 s5, $0x0  }
0x1f: {  	s9 =	smul.u32 $0xF7A, s1;
	s8 =	simm.s32 @!p0 $0x1BF5;
	p2 =	por !p2, p0  }
0x20: {  	[sflag:s8] =	ssyncset.s32 @!p0 $0xFFFFF086;
	s6 =	sadd.s32 @!p0 s3, s7;
	s7 =	simm.s32 @!p0 $0x108  }
0x21: {  	s3 =	sadd.s32 s3, s9;
	s6 =	sadd.s32 @!p0 $0x88, s6;
	s7 =	simm.s32 @p2 $0x1082  }
0x22: {  	[simem:s7], [sflag:s8] =	dma.local @!p0 [hbm:s6], $0xF7A  }
0x23: {  	s9 =	sor.u32 $0xD0000000, s2;
	s6 =	simm.s32 $0x108;
	_ =	swait.ge @!p0 [sflag:s8], $0x0  }
0x24: {  	s3 =	sadd.s32 $0x88, s3;
	s6 =	simm.s32 @!p1 $0x1082;
	[sflag:s4] =	ssyncset.s32 $0xFFFFF086  }
0x25: {  	[simem:s6], [sflag:s4] =	dma.local [hbm:s3], $0xF7A  }
0x26: {  	[smem:$0x3F99] =	sst s1;
	(tag) =	ssettag s2;
	_ =	strace s9  }
0x27: {  	s1 =	sld [smem:$0x3FA9]  }
0x28: {  	s2 =	sld [smem:$0x3FAA]  }
0x29: {  	s4 =	sld [smem:$0x3FAC]  }
0x2a: {  	p0 =	seq.s32 s5, $0x0;
	s5 =	sld [smem:$0x3FAD]  }
0x2b: {  	s6 =	sld [smem:$0x3FAE]  }
0x2c: {  	s7 =	sld [smem:$0x3FAF]  }
0x2d: {  	s3 =	simm.s32 $0x108;
	s8 =	sld [smem:$0x3FB0]  }
0x2e: {  	s3 =	simm.s32 @!p0 $0x1082;
	s9 =	sld [smem:$0x3FB1]  }
0x2f: {  	lr =	sadd.s32 s0, s3;
	s0 =	sld [smem:$0x3FA8]  }
0x30: {  	s3 =	sld [smem:$0x3FAB]  }
0x31: {  	[smem:$0x3FB4] =	sst s10  }
0x32: {  	s10 =	sld [smem:$0x3FB2];
	_ =	sdelay $0x3  }
0x33: {  	p0 =	seq.s32 s10, $0x1;
	s10 =	sld [smem:$0x3FB4];
	_ =	sdelay $0x3  }
0x34: {  	[smem:$0x3FB4] =	sst s10  }
0x35: {  	s10 =	sld [smem:$0x3FB3];
	_ =	sdelay $0x3  }
0x36: {  	p1 =	seq.s32 s10, $0x1;
	s10 =	sld [smem:$0x3FB4];
	_ =	sdelay $0x3  }
0x37: {  	[smem:$0x3FB4] =	sst s10  }
0x38: {  	s10 =	sld [smem:$0x3FB5]  }
0x39: {  	_ = 	snop;
	(pc) =	sbr.ind lr, $3  }
0x3a: {  	_ = 	snop  }
0x3b: {  	_ = 	snop  }
0x3c: {  	p2 =	seq.s32 s10, $0x1;
	s10 =	sld [smem:$0x3FB4]  }
0x3d: {  	_ =	shalt  }
0x3e: {  	_ =	shalt  }
0x3f: {  	_ =	shalt  }
0x40: {  	_ =	shalt  }
0x41: {  	_ =	shalt  }
0x42: {  	_ =	shalt  }
0x43: {  	_ =	shalt  }
0x44: {  	_ =	shalt  }
0x45: {  	_ =	shalt  }
0x46: {  	_ =	shalt  }
0x47: {  	_ =	shalt  }
0x48: {  	_ =	shalt  }
0x49: {  	_ =	shalt  }
0x4a: {  	_ =	shalt  }
0x4b: {  	_ =	shalt  }
0x4c: {  	_ =	shalt  }
0x4d: {  	_ =	shalt  }
0x4e: {  	_ =	shalt  }
0x4f: {  	_ =	shalt  }
0x50: {  	_ =	shalt  }
0x51: {  	_ =	shalt  }
0x52: {  	_ =	shalt  }
0x53: {  	_ =	shalt  }
0x54: {  	_ =	shalt  }
0x55: {  	_ =	shalt  }
0x56: {  	_ =	shalt  }
0x57: {  	_ =	shalt  }
0x58: {  	_ =	shalt  }
0x59: {  	_ =	shalt  }
0x5a: {  	_ =	shalt  }
0x5b: {  	_ =	shalt  }
0x5c: {  	_ =	shalt  }
0x5d: {  	_ =	shalt  }
0x5e: {  	_ =	shalt  }
0x5f: {  	_ =	shalt  }
0x60: {  	_ =	shalt  }
0x61: {  	_ =	shalt  }
0x62: {  	_ =	shalt  }
0x63: {  	_ =	shalt  }
0x64: {  	_ =	shalt  }
0x65: {  	_ =	shalt  }
0x66: {  	_ =	shalt  }
0x67: {  	_ =	shalt  }
0x68: {  	_ =	shalt  }
0x69: {  	_ =	shalt  }
0x6a: {  	_ =	shalt  }
0x6b: {  	_ =	shalt  }
0x6c: {  	_ =	shalt  }
0x6d: {  	_ =	shalt  }
0x6e: {  	_ =	shalt  }
0x6f: {  	_ =	shalt  }
0x70: {  	_ =	shalt  }
0x71: {  	_ =	shalt  }
0x72: {  	_ =	shalt  }
0x73: {  	_ =	shalt  }
0x74: {  	_ =	shalt  }
0x75: {  	_ =	shalt  }
0x76: {  	_ =	shalt  }
0x77: {  	_ =	shalt  }
0x78: {  	_ =	shalt  }
0x79: {  	_ =	shalt  }
0x7a: {  	_ =	shalt  }
0x7b: {  	_ =	shalt  }
0x7c: {  	_ =	shalt  }
0x7d: {  	_ =	shalt  }
0x7e: {  	_ =	shalt  }
0x7f: {  	_ =	shalt  }
0x80: {  	_ =	shalt  }
0x81: {  	_ =	shalt  }
0x82: {  	_ =	shalt  }
0x83: {  	_ =	shalt  }
0x84: {  	_ =	shalt  }
0x85: {  	_ =	shalt  }
0x86: {  	_ =	shalt  }
0x87: {  	_ =	shalt  }
.Lfunc_end0:
.L_simem_size_0:
called_computation.1_lowered:
.L_overlay_start_0:
0x88: {  	s2 =	sld [smem:$0x3FD9]  }
0x89: {  	s3 =	sld [smem:$0x3FFE];
	_ =	sdelay $0x1  }
0x8a: {  	s1 =	srdreg.scid  }
0x8b: {  	s0 =	sand.u32 $0x1, s1  }
0x8c: {  	s16 =	sshll.u32 s0, $0xA;
	s2 =	sadd.s32 s3, s2  }
0x8d: {  	s2 =	sadd.s32 s2, s16  }
0x8e: {  	[smem:$0x3FC0] =	sst s2  }
0x8f: {  	_ = 	snop  }
0x90: {  	(tm) =	ssettm $0x1  }
0x91: {  	s17 =	sld [smem:$0x3FFB];
	_ =	sdelay $0x3  }
0x92: {  	_ =	strace s17  }
0x93: {  	s2 =	sld [smem:$0x3FFC];
	_ =	sdelay $0x3  }
0x94: {  	_ =	strace s2  }
0x95: {  	s2 =	sld [smem:$0x3FFD];
	_ =	sdelay $0x3  }
0x96: {  	_ =	strace s2  }
0x97: {  	_ =	strace $0x8FFFFFFF  }
0x98: {  	s18 =	sld [smem:$0x3FDB];
	_ =	sdelay $0x1  }
0x99: {  	s19 =	simm.s32 $_scs_section_size  }
0x9a: {  	s4 =	simm.s32 $_size__tile_overlayer_lowered;
	s5 =	simm.s32 $_tile_overlayer_lowered  }
0x9b: {  	s22 =	simm.s32 $0x1BFF;
	s21 =	sshll.u32 s5, $0x1;
	s2 =	sadd.s32 s19, s18  }
0x9c: {  	s6 =	simm.s32 $0x0;
	s20 =	sshll.u32 s4, $0x1;
	s4 =	sadd.s32 s21, s2  }
0x9d: {  	[timem:s6], [sflag:s22] =	dma.local [hbm:s4], s20  }
0x9e: {  	_ =	swait.ge [sflag:s22], s20  }
0x9f: {  	s3 =	ssub.s32 $0x0, s20;
	[sflag:s22] =	ssyncset.done $0x0  }
0xa0: {  	[sflag:s22] =	ssyncadd.s32 s3;
	_ =	sdelay $0x1  }
0xa1: {  	s23 =	simm.s32 $0x1B8B  }
0xa2: {  	_ =	swait.ge [sflag:s23], $0x1  }
0xa3: {  	[sflag:s23] =	ssyncset.done $0x0  }
0xa4: {  	s25 =	simm.s32 $0x1B8E;
	s24 =	sld [smem:$0x3FFE];
	[sflag:s23] =	ssyncadd.s32 $0xFFFFFFFF  }
0xa5: {  	s26 =	simm.s32 $execute0_lowered;
	[smem:$0x3FD2] =	sst s25  }
0xa6: {  	s4 =	sshll.u32 s26, $0x1;
	_ =	strace $0x80000049;
	[dreg:$0x1] =	wrdreg $0xFFFFFFFF  }
0xa7: {  	s28 =	simm.s32 $_size_execute0_lowered;
	s2 =	sadd.s32 s2, s4;
	[dreg:$0x0] =	wrdreg $0x0  }
0xa8: {  	s4 =	sshll.u32 s28, $0x1;
	[dreg:$0x2] =	wrdreg s2  }
0xa9: {  	[dreg:$0x3] =	wrdreg s4  }
0xaa: {  	[dreg:$0x4] =	wrdreg $0xC0  }
0xab: {  	_ =	task [dreg:s6], $0x5FFFF  }
0xac: {  	[dreg:$0x1] =	wrdreg $0xFFFFFFFF  }
0xad: {  	[dreg:$0x0] =	wrdreg $0x60  }
0xae: {  	[dreg:$0x2] =	wrdreg s24  }
0xaf: {  	[dreg:$0x3] =	wrdreg $0xAD000  }
0xb0: {  	[dreg:$0x4] =	wrdreg $0x9  }
0xb1: {  	_ =	task.clear_ibuf [dreg:s6], $0x5FFFF;
	_ =	strace $0x90000049  }
0xb2: {  	s29 =	simm.s32 $0x9;
	_ =	strace $0x8000004B  }
0xb3: {  	_ =	swait.ge [sflag:s29], $0x1  }
0xb4: {  	[sflag:s29] =	ssyncadd.s32 $0xFFFFFFFF  }
0xb5: {  	_ =	strace $0x9000004B  }
0xb6: {  	_ =	sfence  }
0xb7: {  	s30 =	sld [smem:$0x0];
	_ =	sdelay $0x2  }
0xb8: {  	s31 =	sshll.u32 s1, $0xD;
	s1 =	sshrl.u32 s1, $0x2  }
0xb9: {  	s3 =	sand.u32 $0x4000, s31;
	s1 =	sadd.s32 s1, s30  }
0xba: {  	s0 =	sor.u32 s3, s0;
	s1 =	sshll.u32 s1, $0x11  }
0xbb: {  	s0 =	sor.u32 s1, s0  }
0xbc: {  	s0 =	sadd.s32 $0x8F2B, s0  }
0xbd: {  	[sflag:s0] =	ssyncadd.remote.s32 $0x1  }
0xbe: {  	_ =	sfence.sel $0xFFFF  }
0xbf: {  	[dreg:$0x0] =	wrdreg $0xFFFFFFFF;
	(pc) =	sbr.abs _section_cstart, $3  }
0xc0: {  	[dreg:$0x1] =	wrdreg $0xFFFFFFFF  }
0xc1: {  	_ =	task.clear_ibuf [dreg:s6], $0x2FFFF;
	_ =	strace $0x9FFFFFFF  }
0xc2: {  	(tm) =	ssettm $0x7FFFFFFF  }
0xc3: {  	_ =	shalt  }
tec
execute0_lowered:
.L_overlay_start_1:
0x0: {  	(tag) =	ssettag $0x1  }
0x1: {  	s1 =	srdreg.scid;
	s0 =	stileid.u32  }
0x2: {  	s7 =	rddreg [dreg:$0x0];
	s4 =	simm.s32 $0x0;
	s17 =	simm.s32 $0x7  }
0x3: {  	s18 =	simm.s32 $0x2C00;
	s19 =	simm.s32 $0x2C80;
	s20 =	simm.s32 $0x2D00  }
0x4: {  	s21 =	simm.s32 $0x1;
	s22 =	simm.s32 $0x80;
	s23 =	simm.s32 $0x6D00  }
0x5: {  	s28 =	simm.s32 $0x4;
	s29 =	simm.s32 $0x5;
	s30 =	simm.s32 $0x0  }
0x6: {  	s1 =	sand.u32 $0x1, s1;
	s2 =	sshll.u32 s0, $0x1;
	s8 =	smul.u32 $0x14000, s0  }
0x7: {  	[smem:$0x7FF] =	sst s4;
	s5 =	sadd.s32 $0x18800, s7;
	s11 =	smul.u32 $0x50000, s0  }
0x8: {  	s3 =	sor.u32 s1, s2;
	s2 =	rddreg [dreg:$0x1];
	s6 =	smul.u32 $0x140000, s1  }
0x9: {  	_ =	strace $0x8000004A;
	s1 =	ssub.s32 $0x2, s1;
	s3 =	smul.u32 $0x2C00, s3  }
0xa: {  	s24 =	sshrl.u32 s1, $0x1;
	s25 =	sshrl.u32 s11, $0x2;
	s8 =	sadd.s32 s8, s6  }
0xb: {  	s6 =	sadd.s32 $0x1E00, s7;
	s1 =	ssub.s32 s1, s24;
	s24 =	simm.s32 $0x6  }
0xc: {  	s9 =	sshrl.u32 s3, $0x3;
	s8 =	sshrl.u32 s8, $0x3;
	s16 =	smax.u32 s1, $0x1  }
0xd: {  	s10 =	sadd.s32 s9, s7;
	s15 =	sadd.s32 s8, s7;
	s7 =	sadd.s32 s6, s9  }
0xe: {  	s8 =	sadd.s32 s25, s2;
	s25 =	simm.s32 $0x2;
	s26 =	sadd.s32 $0xD800, s10  }
0xf: {  	s31 =	sadd.s32 $0x10, s7;
	s11 =	sadd.s32 $0x4000, s8;
	s12 =	sadd.s32 $0x8000, s8  }
0x10: {  	s13 =	sadd.s32 $0xC000, s8;
	s14 =	sadd.s32 $0x10000, s8;
	[dreg:$0x3] =	wrdreg s26  }
0x11: {  	v0 =	vimm.f32 $0.0e+00;
	s15 =	sadd.s32 $0x40800, s15;
	[dreg:$0x4] =	wrdreg s31;
	s26 =	simm.s32 $0x3  }
.LBB2_1:
0x12: {  	s0 =	rddreg [dreg:$0x3]  }
0x13: {  	[tilespmem:s4], [sflag:$0x7] =	stream.linear.gather [hbm4b:s0+s4], $0x2880, $0x38;
	[tilespmem:$0x1ED00] =	vst v63  }
0x14: {  	_ =	swait.ge [sflag:s17], $0x2880  }
0x15: {  	[sflag:s17] =	ssyncset.done $0x0  }
0x16: {  	[sflag:s17] =	ssyncadd.s32 $0xFFFFD780  }
0x17: {  	[tilespmem:s18], [sflag:$0x7] =	stream.linear.gather [hbm4b:s7+s4], $0x80, $0x38;
	[tilespmem:$0x1ED00] =	vst v63  }
0x18: {  	_ =	swait.ge [sflag:s17], $0x80  }
0x19: {  	s1 =	simm.s32 $0x0;
	[sflag:s17] =	ssyncset.done $0x0  }
0x1a: {  	s31 =	simm.s32 $0x200;
	s10 =	rddreg [dreg:$0x4];
	[sflag:s17] =	ssyncadd.s32 $0xFFFFFF80  }
0x1b: {  	[tilespmem:s19], [sflag:$0x6] =	stream.linear.gather [hbm4b:s10+s4], $0x80, $0x38;
	[tilespmem:$0x1ED00] =	vst v63  }
.LBB2_2:
0x1c: {  	p0 =	sne.s32 s31, $0xFE00;
	[tilespmem:s1+$0x2D70] =	vst v0  }
0x1d: {  	[tilespmem:s1+$0x2D00] =	vst v0  }
0x1e: {  	[tilespmem:s1+$0x2D10] =	vst v0  }
.Ltmp0:
0x1f: {  	[tilespmem:s1+$0x2D20] =	vst v0;
	(pc) =	sbr.rel @p0 .LBB2_2-.Ltmp0, $4  }
0x20: {  	[tilespmem:s1+$0x2D30] =	vst v0  }
0x21: {  	[tilespmem:s1+$0x2D40] =	vst v0  }
0x22: {  	[tilespmem:s1+$0x2D50] =	vst v0  }
0x23: {  	[tilespmem:s1+$0x2D60] =	vst v0;
	s1 =	sshra.s32 s31, $0x2;
	s31 =	sadd.s32 $0x200, s31  }
0x24: {  	[tilespmem:s1+$0x2D70] =	vst v0  }
0x25: {  	[tilespmem:s1+$0x2D00] =	vst v0  }
0x26: {  	[tilespmem:s1+$0x2D10] =	vst v0  }
0x27: {  	[tilespmem:s1+$0x2D20] =	vst v0  }
0x28: {  	[tilespmem:s1+$0x2D30] =	vst v0  }
0x29: {  	[tilespmem:s1+$0x2D40] =	vst v0  }
0x2a: {  	[tilespmem:s1+$0x2D50] =	vst v0  }
0x2b: {  	[tilespmem:s1+$0x2D60] =	vst v0  }
0x2c: {  	[spmem:s8] =	stream.linear.scatter [tilespmem:s20], [sflag:$0x7], $0x4000, $0x38;
	[tilespmem:$0x1ED00] =	vst v63  }
0x2d: {  	_ =	swait.ge [sflag:s17], $0x4000  }
0x2e: {  	[sflag:s17] =	ssyncset.done $0x0  }
0x2f: {  	[sflag:s17] =	ssyncadd.s32 $0xFFFFC000  }
0x30: {  	[spmem:s11] =	stream.linear.scatter [tilespmem:s20], [sflag:$0x7], $0x4000, $0x38;
	[tilespmem:$0x1ED00] =	vst v63  }
0x31: {  	_ =	swait.ge [sflag:s17], $0x4000  }
0x32: {  	[sflag:s17] =	ssyncset.done $0x0  }
0x33: {  	[sflag:s17] =	ssyncadd.s32 $0xFFFFC000  }
0x34: {  	[spmem:s12] =	stream.linear.scatter [tilespmem:s20], [sflag:$0x7], $0x4000, $0x38;
	[tilespmem:$0x1ED00] =	vst v63  }
0x35: {  	_ =	swait.ge [sflag:s17], $0x4000  }
0x36: {  	[sflag:s17] =	ssyncset.done $0x0  }
0x37: {  	[sflag:s17] =	ssyncadd.s32 $0xFFFFC000  }
0x38: {  	[spmem:s13] =	stream.linear.scatter [tilespmem:s20], [sflag:$0x7], $0x4000, $0x38;
	[tilespmem:$0x1ED00] =	vst v63  }
0x39: {  	_ =	swait.ge [sflag:s17], $0x4000  }
0x3a: {  	[sflag:s17] =	ssyncset.done $0x0  }
0x3b: {  	[sflag:s17] =	ssyncadd.s32 $0xFFFFC000  }
0x3c: {  	[spmem:s14] =	stream.linear.scatter [tilespmem:s20], [sflag:$0x7], $0x4000, $0x38;
	[tilespmem:$0x1ED00] =	vst v63  }
0x3d: {  	_ =	swait.ge [sflag:s17], $0x4000  }
0x3e: {  	[sflag:s17] =	ssyncset.done $0x0  }
0x3f: {  	[sflag:s17] =	ssyncadd.s32 $0xFFFFC000  }
0x40: {  	s31 =	simm.s32 $0x80;
	[bflag:$0x0] =	sbarrier.arrive $0xFFFF  }
0x41: {  	[tilespmem:s20], [sflag:$0x1] =	stream.indirect.gather [hbm4b:s5+s31], $0x80, s4, s31, $0xb8;
	[tilespmem:$0x1ED00] =	vst v63  }
0x42: {  	_ =	swait.ge [sflag:s21], $0x4000  }
0x43: {  	[sflag:s21] =	ssyncset.done $0x0  }
0x44: {  	[sflag:s21] =	ssyncadd.s32 $0xFFFFC000  }
0x45: {  	[tilespmem:s23], [sflag:$0x2] =	stream.indirect.gather [hbm4b:s5+s22], $0x80, s31, s22, $0xb8;
	[tilespmem:$0x1ED00] =	vst v63  }
0x46: {  	_ = 	snop  }
0x47: {  	[spmem:s2] =	stream.indirect.scatter.add.f32 [tilespmem:s20], [sflag:$0x3], $0x80, s18, s22, $0xb8;
	[tilespmem:$0x1ED00] =	vst v63  }
0x48: {  	_ =	swait.ge [sflag:s24], $0x80  }
0x49: {  	[sflag:s24] =	ssyncset.done $0x0  }
0x4a: {  	[sflag:s24] =	ssyncadd.s32 $0xFFFFFF80  }
0x4b: {  	s10 =	simm.s32 $0x100;
	_ =	swait.ge [sflag:s25], $0x4000  }
0x4c: {  	s0 =	sand.u32 $0x7C00, s10;
	[sflag:s25] =	ssyncset.done $0x0  }
0x4d: {  	s1 =	sand.u32 $0x300, s10;
	s0 =	sadd.s32 s3, s0;
	[sflag:s25] =	ssyncadd.s32 $0xFFFFC000  }
0x4e: {  	s0 =	sor.u32 s1, s0;
	_ =	swait.ge [sflag:s26], $0x4000  }
0x4f: {  	s0 =	sshrl.u32 s0, $0x3;
	[sflag:s26] =	ssyncset.done $0x0  }
0x50: {  	s0 =	sadd.s32 s6, s0;
	[sflag:s26] =	ssyncadd.s32 $0xFFFFC000  }
0x51: {  	[tilespmem:s18], [sflag:$0x5] =	stream.linear.gather [hbm4b:s0+s4], $0x80, $0x38;
	[tilespmem:$0x1ED00] =	vst v63  }
0x52: {  	s0 =	simm.s32 $0x180  }
0x53: {  	s9 =	simm.s32 $0x100;
	s10 =	sand.u32 $0x7C00, s0  }
0x54: {  	[tilespmem:s20], [sflag:$0x1] =	stream.indirect.gather [hbm4b:s5+s22], $0x80, s9, s22, $0xb8;
	[tilespmem:$0x1ED00] =	vst v63  }
0x55: {  	s0 =	sand.u32 $0x380, s0;
	s1 =	sadd.s32 s3, s10  }
0x56: {  	[spmem:s2] =	stream.indirect.scatter.add.f32 [tilespmem:s23], [sflag:$0x4], $0x80, s19, s22, $0xb8;
	[tilespmem:$0x1ED00] =	vst v63  }
0x57: {  	s0 =	sor.u32 s0, s1;
	_ =	swait.ge [sflag:s28], $0x4000  }
0x58: {  	s0 =	sshrl.u32 s0, $0x3;
	[sflag:s28] =	ssyncset.done $0x0  }
0x59: {  	s0 =	sadd.s32 s6, s0;
	[sflag:s28] =	ssyncadd.s32 $0xFFFFC000  }
0x5a: {  	[tilespmem:s19], [sflag:$0x6] =	stream.linear.gather [hbm4b:s0+s4], $0x80, $0x38;
	[tilespmem:$0x1ED00] =	vst v63  }
0x5b: {  	s1 =	simm.s32 $0x280;
	_ =	swait.ge [sflag:s29], $0x80  }
.LBB2_4:
0x5c: {  	p0 =	sne.s32 s1, $0x2880;
	[sflag:s29] =	ssyncset.done $0x0;
	s31 =	sadd.s32 $0x100, s31  }
0x5d: {  	s0 =	smov.u32 s1;
	s1 =	sadd.s32 $0x100, s1;
	[sflag:s29] =	ssyncadd.s32 $0xFFFFFF80  }
0x5e: {  	_ =	swait.ge [sflag:s21], $0x4000  }
0x5f: {  	[sflag:s21] =	ssyncset.done $0x0  }
0x60: {  	[sflag:s21] =	ssyncadd.s32 $0xFFFFC000  }
0x61: {  	[tilespmem:s23], [sflag:$0x2] =	stream.indirect.gather [hbm4b:s5+s22], $0x80, s31, s22, $0xb8;
	[tilespmem:$0x1ED00] =	vst v63  }
0x62: {  	_ = 	snop  }
0x63: {  	[spmem:s2] =	stream.indirect.scatter.add.f32 [tilespmem:s20], [sflag:$0x3], $0x80, s18, s22, $0xb8;
	[tilespmem:$0x1ED00] =	vst v63  }
0x64: {  	_ =	swait.ge [sflag:s24], $0x80  }
0x65: {  	[sflag:s24] =	ssyncset.done $0x0  }
0x66: {  	[sflag:s24] =	ssyncadd.s32 $0xFFFFFF80  }
0x67: {  	s9 =	sadd.s32 $0xFFFFFF80, s0;
	_ =	swait.ge [sflag:s25], $0x4000  }
0x68: {  	s10 =	sand.u32 $0x7C00, s9;
	[sflag:s25] =	ssyncset.done $0x0  }
0x69: {  	s9 =	sand.u32 $0x300, s9;
	s10 =	sadd.s32 s3, s10;
	[sflag:s25] =	ssyncadd.s32 $0xFFFFC000  }
0x6a: {  	s9 =	sor.u32 s9, s10;
	_ =	swait.ge [sflag:s26], $0x4000  }
0x6b: {  	s9 =	sshrl.u32 s9, $0x3;
	[sflag:s26] =	ssyncset.done $0x0  }
0x6c: {  	s9 =	sadd.s32 s6, s9;
	[sflag:s26] =	ssyncadd.s32 $0xFFFFC000  }
0x6d: {  	[tilespmem:s18], [sflag:$0x5] =	stream.linear.gather [hbm4b:s9+s4], $0x80, $0x38;
	[tilespmem:$0x1ED00] =	vst v63  }
0x6e: {  	s9 =	sadd.s32 $0x80, s31  }
0x6f: {  	[tilespmem:s20], [sflag:$0x1] =	stream.indirect.gather [hbm4b:s5+s22], $0x80, s9, s22, $0xb8;
	[tilespmem:$0x1ED00] =	vst v63  }
0x70: {  	s9 =	sand.u32 $0x7C00, s0;
	s0 =	sand.u32 $0x380, s0  }
0x71: {  	[spmem:s2] =	stream.indirect.scatter.add.f32 [tilespmem:s23], [sflag:$0x4], $0x80, s19, s22, $0xb8;
	[tilespmem:$0x1ED00] =	vst v63  }
0x72: {  	s9 =	sadd.s32 s3, s9;
	_ =	swait.ge [sflag:s28], $0x4000  }
.Ltmp1:
0x73: {  	s0 =	sor.u32 s0, s9;
	[sflag:s28] =	ssyncset.done $0x0;
	(pc) =	sbr.rel @p0 .LBB2_4-.Ltmp1, $4  }
0x74: {  	s0 =	sshrl.u32 s0, $0x3;
	[sflag:s28] =	ssyncadd.s32 $0xFFFFC000  }
0x75: {  	s0 =	sadd.s32 s6, s0  }
0x76: {  	[tilespmem:s19], [sflag:$0x6] =	stream.linear.gather [hbm4b:s0+s4], $0x80, $0x38;
	[tilespmem:$0x1ED00] =	vst v63  }
0x77: {  	_ =	swait.ge [sflag:s29], $0x80  }
0x78: {  	[sflag:s29] =	ssyncset.done $0x0  }
0x79: {  	[sflag:s29] =	ssyncadd.s32 $0xFFFFFF80  }
0x7a: {  	_ =	swait.ge [sflag:s21], $0x4000  }
0x7b: {  	[sflag:s21] =	ssyncset.done $0x0  }
0x7c: {  	[sflag:s21] =	ssyncadd.s32 $0xFFFFC000  }
0x7d: {  	s0 =	stileid.u32;
	_ =	swait.ge [sflag:s24], $0x80  }
0x7e: {  	s1 =	sshrl.u32 s8, $0x3;
	s30 =	sadd.s32 $0x1, s30;
	[sflag:s24] =	ssyncset.done $0x0  }
0x7f: {  	s0 =	sshll.u32 s0, $0x6;
	p0 =	sne.s32 s30, s16;
	[sflag:s24] =	ssyncadd.s32 $0xFFFFFF80  }
.Ltmp2:
0x80: {  	s0 =	sor.u32 $0x1C07, s0;
	[bflag:$0x0] =	sbarrier.arrive $0xFFFF;
	(pc) =	sbr.rel @p0 .LBB2_1-.Ltmp2, $4  }
0x81: {  	[hbm:s15], [sflag:s0] =	dma.local [spmem:s1], $0x2800  }
0x82: {  	_ =	swait.ge [sflag:s17], $0x2800  }
0x83: {  	[sflag:s17] =	ssyncset.done $0x0  }
0x84: {  	[sflag:s17] =	ssyncadd.s32 $0xFFFFD800  }
0x85: {  	_ =	sfence.sel $0x180000  }
0x86: {  	[bflag:$0x0] =	sbarrier.arrive $0xFFFF  }
0x87: {  	_ =	strace $0x9000004A  }
0x88: {  	s0 =	stileid.u32;
	[bflag:$0x2] =	sbarrier.arrive $0xFFFF  }
0x89: {  	p0 =	sne.s32 s0, $0x0;
	s0 =	rddreg [dreg:$0x2]  }
0x8a: {  	s0 =	sadd.s32 @!p0 $0x100000, s0  }
0x8b: {  	[sflag:s0] =	ssyncadd.tile.s32 @!p0 $0x1;
	_ =	shalt  }
.Lfunc_end2:
_tile_overlayer_lowered:
.L_overlay_start_2:
0x8c: {  	(tag) =	ssettag $0x2  }
0x8d: {  	s0 =	rddreg [dreg:$0x0];
	s2 =	stileid.u32  }
0x8e: {  	s1 =	rddreg [dreg:$0x1];
	p0 =	sne.s32 s2, $0x0  }
0x8f: {  	s3 =	rddreg [dreg:$0x2];
	[bflag:$0x3] =	sbarrier.arrive $0xFFFF;
	s2 =	simm.s32 @!p0 $0x1C07  }
0x90: {  	[timem:s3], [sflag:s2] =	dma.local @!p0 [hbm:s0], s1  }
0x91: {  	s0 =	simm.s32 @!p0 $0x7  }
0x92: {  	_ =	swait.ge @!p0 [sflag:s0], s1  }
0x93: {  	s1 =	ssub.s32 @!p0 $0x0, s1;
	[sflag:s0] =	ssyncset.done @!p0 $0x0  }
0x94: {  	[sflag:s0] =	ssyncadd.s32 @!p0 s1  }
0x95: {  	[bflag:$0x3] =	sbarrier.arrive $0xFFFF  }
0x96: {  	_ =	shalt  }

// kernel: kernel.14.cloned.1.call-start
scs
__scs_entry_jumppad:
0x0: {  	(pc) =	sbr.rel $0x88, $3  }
0x1: {  	(tag) =	ssettag $0x0;
	lr =	simm.s32 $0x1  }
0x2: {  	[smem:$0x3F99] =	sst lr;
	_ =	strace $0xD0000000  }
0x3: {  	_ = 	snop  }
0x4: {  	_ = 	snop  }
0x5: {  	_ = 	snop  }
0x6: {  	_ = 	snop  }
0x7: {  	_ = 	snop  }
__scs_overlays_trampoline_lowered:
0x8: {  	[smem:$0x3FA8] =	sst s0  }
0x9: {  	[smem:$0x3FA9] =	sst s1  }
0xa: {  	[smem:$0x3FAA] =	sst s2  }
0xb: {  	[smem:$0x3FAB] =	sst s3  }
0xc: {  	[smem:$0x3FAC] =	sst s4  }
0xd: {  	[smem:$0x3FAD] =	sst s5  }
0xe: {  	[smem:$0x3FAE] =	sst s6  }
0xf: {  	[smem:$0x3FAF] =	sst s7  }
0x10: {  	[smem:$0x3FB0] =	sst s8  }
0x11: {  	[smem:$0x3FB1] =	sst s9;
	s0 =	simm.s32 @!p0 $0x0  }
0x12: {  	s1 =	sld [smem:$0x3F97];
	s0 =	simm.s32 @p0 $0x1  }
0x13: {  	[smem:$0x3FB2] =	sst s0;
	s0 =	simm.s32 @!p1 $0x0  }
0x14: {  	s2 =	sld [smem:$0x3F96];
	s0 =	simm.s32 @p1 $0x1  }
0x15: {  	[smem:$0x3FB3] =	sst s0;
	s0 =	simm.s32 @!p2 $0x0  }
0x16: {  	s3 =	sld [smem:$0x3FDB];
	s0 =	simm.s32 @p2 $0x1  }
0x17: {  	s4 =	simm.s32 $0x1BF5;
	[smem:$0x3FB5] =	sst s0  }
0x18: {  	s0 =	sld [smem:$0x3F98];
	_ =	swait.ge [sflag:s4], $0x0  }
0x19: {  	s7 =	sld [smem:$0x3F99]  }
0x1a: {  	s8 =	sadd.s32 $0xFFFFE003, lr  }
0x1b: {  	s9 =	sadd.s32 $0xFFFFFEF7, lr;
	s5 =	simm.s32 $0xFFFFFFFF;
	p2 =	slt.u32 s8, $0xFFFFF086  }
0x1c: {  	p1 =	slt.u32 s9, $0xF7A;
	s5 =	simm.s32 @!p2 $0x0  }
0x1d: {  	s5 =	simm.s32 @p1 $0x1;
	p0 =	seq.s32 s7, s2  }
0x1e: {  	s7 =	smul.u32 @!p0 $0xF7A, s2;
	p2 =	seq.s32 @!p0 s5, $0x0  }
0x1f: {  	s9 =	smul.u32 $0xF7A, s1;
	s8 =	simm.s32 @!p0 $0x1BF5;
	p2 =	por !p2, p0  }
0x20: {  	[sflag:s8] =	ssyncset.s32 @!p0 $0xFFFFF086;
	s6 =	sadd.s32 @!p0 s3, s7;
	s7 =	simm.s32 @!p0 $0x108  }
0x21: {  	s3 =	sadd.s32 s3, s9;
	s6 =	sadd.s32 @!p0 $0x88, s6;
	s7 =	simm.s32 @p2 $0x1082  }
0x22: {  	[simem:s7], [sflag:s8] =	dma.local @!p0 [hbm:s6], $0xF7A  }
0x23: {  	s9 =	sor.u32 $0xD0000000, s2;
	s6 =	simm.s32 $0x108;
	_ =	swait.ge @!p0 [sflag:s8], $0x0  }
0x24: {  	s3 =	sadd.s32 $0x88, s3;
	s6 =	simm.s32 @!p1 $0x1082;
	[sflag:s4] =	ssyncset.s32 $0xFFFFF086  }
0x25: {  	[simem:s6], [sflag:s4] =	dma.local [hbm:s3], $0xF7A  }
0x26: {  	[smem:$0x3F99] =	sst s1;
	(tag) =	ssettag s2;
	_ =	strace s9  }
0x27: {  	s1 =	sld [smem:$0x3FA9]  }
0x28: {  	s2 =	sld [smem:$0x3FAA]  }
0x29: {  	s4 =	sld [smem:$0x3FAC]  }
0x2a: {  	p0 =	seq.s32 s5, $0x0;
	s5 =	sld [smem:$0x3FAD]  }
0x2b: {  	s6 =	sld [smem:$0x3FAE]  }
0x2c: {  	s7 =	sld [smem:$0x3FAF]  }
0x2d: {  	s3 =	simm.s32 $0x108;
	s8 =	sld [smem:$0x3FB0]  }
0x2e: {  	s3 =	simm.s32 @!p0 $0x1082;
	s9 =	sld [smem:$0x3FB1]  }
0x2f: {  	lr =	sadd.s32 s0, s3;
	s0 =	sld [smem:$0x3FA8]  }
0x30: {  	s3 =	sld [smem:$0x3FAB]  }
0x31: {  	[smem:$0x3FB4] =	sst s10  }
0x32: {  	s10 =	sld [smem:$0x3FB2];
	_ =	sdelay $0x3  }
0x33: {  	p0 =	seq.s32 s10, $0x1;
	s10 =	sld [smem:$0x3FB4];
	_ =	sdelay $0x3  }
0x34: {  	[smem:$0x3FB4] =	sst s10  }
0x35: {  	s10 =	sld [smem:$0x3FB3];
	_ =	sdelay $0x3  }
0x36: {  	p1 =	seq.s32 s10, $0x1;
	s10 =	sld [smem:$0x3FB4];
	_ =	sdelay $0x3  }
0x37: {  	[smem:$0x3FB4] =	sst s10  }
0x38: {  	s10 =	sld [smem:$0x3FB5]  }
0x39: {  	_ = 	snop;
	(pc) =	sbr.ind lr, $3  }
0x3a: {  	_ = 	snop  }
0x3b: {  	_ = 	snop  }
0x3c: {  	p2 =	seq.s32 s10, $0x1;
	s10 =	sld [smem:$0x3FB4]  }
0x3d: {  	_ =	shalt  }
0x3e: {  	_ =	shalt  }
0x3f: {  	_ =	shalt  }
0x40: {  	_ =	shalt  }
0x41: {  	_ =	shalt  }
0x42: {  	_ =	shalt  }
0x43: {  	_ =	shalt  }
0x44: {  	_ =	shalt  }
0x45: {  	_ =	shalt  }
0x46: {  	_ =	shalt  }
0x47: {  	_ =	shalt  }
0x48: {  	_ =	shalt  }
0x49: {  	_ =	shalt  }
0x4a: {  	_ =	shalt  }
0x4b: {  	_ =	shalt  }
0x4c: {  	_ =	shalt  }
0x4d: {  	_ =	shalt  }
0x4e: {  	_ =	shalt  }
0x4f: {  	_ =	shalt  }
0x50: {  	_ =	shalt  }
0x51: {  	_ =	shalt  }
0x52: {  	_ =	shalt  }
0x53: {  	_ =	shalt  }
0x54: {  	_ =	shalt  }
0x55: {  	_ =	shalt  }
0x56: {  	_ =	shalt  }
0x57: {  	_ =	shalt  }
0x58: {  	_ =	shalt  }
0x59: {  	_ =	shalt  }
0x5a: {  	_ =	shalt  }
0x5b: {  	_ =	shalt  }
0x5c: {  	_ =	shalt  }
0x5d: {  	_ =	shalt  }
0x5e: {  	_ =	shalt  }
0x5f: {  	_ =	shalt  }
0x60: {  	_ =	shalt  }
0x61: {  	_ =	shalt  }
0x62: {  	_ =	shalt  }
0x63: {  	_ =	shalt  }
0x64: {  	_ =	shalt  }
0x65: {  	_ =	shalt  }
0x66: {  	_ =	shalt  }
0x67: {  	_ =	shalt  }
0x68: {  	_ =	shalt  }
0x69: {  	_ =	shalt  }
0x6a: {  	_ =	shalt  }
0x6b: {  	_ =	shalt  }
0x6c: {  	_ =	shalt  }
0x6d: {  	_ =	shalt  }
0x6e: {  	_ =	shalt  }
0x6f: {  	_ =	shalt  }
0x70: {  	_ =	shalt  }
0x71: {  	_ =	shalt  }
0x72: {  	_ =	shalt  }
0x73: {  	_ =	shalt  }
0x74: {  	_ =	shalt  }
0x75: {  	_ =	shalt  }
0x76: {  	_ =	shalt  }
0x77: {  	_ =	shalt  }
0x78: {  	_ =	shalt  }
0x79: {  	_ =	shalt  }
0x7a: {  	_ =	shalt  }
0x7b: {  	_ =	shalt  }
0x7c: {  	_ =	shalt  }
0x7d: {  	_ =	shalt  }
0x7e: {  	_ =	shalt  }
0x7f: {  	_ =	shalt  }
0x80: {  	_ =	shalt  }
0x81: {  	_ =	shalt  }
0x82: {  	_ =	shalt  }
0x83: {  	_ =	shalt  }
0x84: {  	_ =	shalt  }
0x85: {  	_ =	shalt  }
0x86: {  	_ =	shalt  }
0x87: {  	_ =	shalt  }
.Lfunc_end0:
.L_simem_size_0:
called_computation.2_lowered:
.L_overlay_start_0:
0x88: {  	s2 =	sld [smem:$0x3FD9]  }
0x89: {  	s3 =	sld [smem:$0x3FFE];
	_ =	sdelay $0x1  }
0x8a: {  	s1 =	srdreg.scid  }
0x8b: {  	s0 =	sand.u32 $0x1, s1  }
0x8c: {  	s16 =	sshll.u32 s0, $0xA;
	s2 =	sadd.s32 s3, s2  }
0x8d: {  	s2 =	sadd.s32 s2, s16  }
0x8e: {  	[smem:$0x3FC0] =	sst s2  }
0x8f: {  	_ = 	snop  }
0x90: {  	(tm) =	ssettm $0x1  }
0x91: {  	s17 =	sld [smem:$0x3FFB];
	_ =	sdelay $0x3  }
0x92: {  	_ =	strace s17  }
0x93: {  	s2 =	sld [smem:$0x3FFC];
	_ =	sdelay $0x3  }
0x94: {  	_ =	strace s2  }
0x95: {  	s2 =	sld [smem:$0x3FFD];
	_ =	sdelay $0x3  }
0x96: {  	_ =	strace s2  }
0x97: {  	_ =	strace $0x8FFFFFFF  }
0x98: {  	s18 =	sld [smem:$0x3FDB];
	_ =	sdelay $0x1  }
0x99: {  	s19 =	simm.s32 $_scs_section_size  }
0x9a: {  	s4 =	simm.s32 $_size__tile_overlayer_lowered;
	s5 =	simm.s32 $_tile_overlayer_lowered  }
0x9b: {  	s22 =	simm.s32 $0x1BFF;
	s21 =	sshll.u32 s5, $0x1;
	s2 =	sadd.s32 s19, s18  }
0x9c: {  	s6 =	simm.s32 $0x0;
	s20 =	sshll.u32 s4, $0x1;
	s4 =	sadd.s32 s21, s2  }
0x9d: {  	[timem:s6], [sflag:s22] =	dma.local [hbm:s4], s20  }
0x9e: {  	_ =	swait.ge [sflag:s22], s20  }
0x9f: {  	s3 =	ssub.s32 $0x0, s20;
	[sflag:s22] =	ssyncset.done $0x0  }
0xa0: {  	[sflag:s22] =	ssyncadd.s32 s3;
	_ =	sdelay $0x1  }
0xa1: {  	s23 =	simm.s32 $0x1B8B  }
0xa2: {  	_ =	swait.ge [sflag:s23], $0x1  }
0xa3: {  	[sflag:s23] =	ssyncset.done $0x0  }
0xa4: {  	s25 =	simm.s32 $0x1B8E;
	s24 =	sld [smem:$0x3FFE];
	[sflag:s23] =	ssyncadd.s32 $0xFFFFFFFF  }
0xa5: {  	s26 =	simm.s32 $execute0_lowered;
	[smem:$0x3FD2] =	sst s25  }
0xa6: {  	s4 =	sshll.u32 s26, $0x1;
	_ =	strace $0x8000004C;
	[dreg:$0x1] =	wrdreg $0xFFFFFFFF  }
0xa7: {  	s28 =	simm.s32 $_size_execute0_lowered;
	s2 =	sadd.s32 s2, s4;
	[dreg:$0x0] =	wrdreg $0x0  }
0xa8: {  	s4 =	sshll.u32 s28, $0x1;
	[dreg:$0x2] =	wrdreg s2  }
0xa9: {  	[dreg:$0x3] =	wrdreg s4  }
0xaa: {  	[dreg:$0x4] =	wrdreg $0xC0  }
0xab: {  	_ =	task [dreg:s6], $0x5FFFF  }
0xac: {  	[dreg:$0x1] =	wrdreg $0xFFFFFFFF  }
0xad: {  	[dreg:$0x0] =	wrdreg $0x60  }
0xae: {  	[dreg:$0x2] =	wrdreg s24  }
0xaf: {  	[dreg:$0x3] =	wrdreg $0xAD000  }
0xb0: {  	[dreg:$0x4] =	wrdreg $0x9  }
0xb1: {  	_ =	task.clear_ibuf [dreg:s6], $0x5FFFF;
	_ =	strace $0x9000004C  }
0xb2: {  	s29 =	simm.s32 $0x9;
	_ =	strace $0x8000004E  }
0xb3: {  	_ =	swait.ge [sflag:s29], $0x1  }
0xb4: {  	[sflag:s29] =	ssyncadd.s32 $0xFFFFFFFF  }
0xb5: {  	_ =	strace $0x9000004E  }
0xb6: {  	_ =	sfence  }
0xb7: {  	s30 =	sld [smem:$0x0];
	_ =	sdelay $0x2  }
0xb8: {  	s31 =	sshll.u32 s1, $0xD;
	s1 =	sshrl.u32 s1, $0x2  }
0xb9: {  	s3 =	sand.u32 $0x4000, s31;
	s1 =	sadd.s32 s1, s30  }
0xba: {  	s0 =	sor.u32 s3, s0;
	s1 =	sshll.u32 s1, $0x11  }
0xbb: {  	s0 =	sor.u32 s1, s0  }
0xbc: {  	s0 =	sadd.s32 $0x8F2B, s0  }
0xbd: {  	[sflag:s0] =	ssyncadd.remote.s32 $0x1  }
0xbe: {  	_ =	sfence.sel $0xFFFF  }
0xbf: {  	[dreg:$0x0] =	wrdreg $0xFFFFFFFF;
	(pc) =	sbr.abs _section_cstart, $3  }
0xc0: {  	[dreg:$0x1] =	wrdreg $0xFFFFFFFF  }
0xc1: {  	_ =	task.clear_ibuf [dreg:s6], $0x2FFFF;
	_ =	strace $0x9FFFFFFF  }
0xc2: {  	(tm) =	ssettm $0x7FFFFFFF  }
0xc3: {  	_ =	shalt  }
tec
execute0_lowered:
.L_overlay_start_1:
0x0: {  	(tag) =	ssettag $0x1  }
0x1: {  	s1 =	srdreg.scid;
	s0 =	stileid.u32  }
0x2: {  	s7 =	rddreg [dreg:$0x0];
	s4 =	simm.s32 $0x0;
	s17 =	simm.s32 $0x7  }
0x3: {  	s18 =	simm.s32 $0x2C00;
	s19 =	simm.s32 $0x2C80;
	s20 =	simm.s32 $0x2D00  }
0x4: {  	s21 =	simm.s32 $0x1;
	s22 =	simm.s32 $0x80;
	s23 =	simm.s32 $0x6D00  }
0x5: {  	s28 =	simm.s32 $0x4;
	s29 =	simm.s32 $0x5;
	s30 =	simm.s32 $0x0  }
0x6: {  	s1 =	sand.u32 $0x1, s1;
	s2 =	sshll.u32 s0, $0x1;
	s8 =	smul.u32 $0x14000, s0  }
0x7: {  	[smem:$0x7FF] =	sst s4;
	s5 =	sadd.s32 $0x18800, s7;
	s11 =	smul.u32 $0x50000, s0  }
0x8: {  	s3 =	sor.u32 s1, s2;
	s2 =	rddreg [dreg:$0x1];
	s6 =	smul.u32 $0x140000, s1  }
0x9: {  	_ =	strace $0x8000004D;
	s1 =	ssub.s32 $0x2, s1;
	s3 =	smul.u32 $0x2C00, s3  }
0xa: {  	s24 =	sshrl.u32 s1, $0x1;
	s25 =	sshrl.u32 s11, $0x2;
	s8 =	sadd.s32 s8, s6  }
0xb: {  	s6 =	sadd.s32 $0x1E00, s7;
	s1 =	ssub.s32 s1, s24;
	s24 =	simm.s32 $0x6  }
0xc: {  	s9 =	sshrl.u32 s3, $0x3;
	s8 =	sshrl.u32 s8, $0x3;
	s16 =	smax.u32 s1, $0x1  }
0xd: {  	s10 =	sadd.s32 s9, s7;
	s15 =	sadd.s32 s8, s7;
	s7 =	sadd.s32 s6, s9  }
0xe: {  	s8 =	sadd.s32 s25, s2;
	s25 =	simm.s32 $0x2;
	s26 =	sadd.s32 $0xD800, s10  }
0xf: {  	s31 =	sadd.s32 $0x10, s7;
	s11 =	sadd.s32 $0x4000, s8;
	s12 =	sadd.s32 $0x8000, s8  }
0x10: {  	s13 =	sadd.s32 $0xC000, s8;
	s14 =	sadd.s32 $0x10000, s8;
	[dreg:$0x3] =	wrdreg s26  }
0x11: {  	v0 =	vimm.f32 $0.0e+00;
	s15 =	sadd.s32 $0x40800, s15;
	[dreg:$0x4] =	wrdreg s31;
	s26 =	simm.s32 $0x3  }
.LBB2_1:
0x12: {  	s0 =	rddreg [dreg:$0x3]  }
0x13: {  	[tilespmem:s4], [sflag:$0x7] =	stream.linear.gather [hbm4b:s0+s4], $0x2880, $0x38;
	[tilespmem:$0x1ED00] =	vst v63  }
0x14: {  	_ =	swait.ge [sflag:s17], $0x2880  }
0x15: {  	[sflag:s17] =	ssyncset.done $0x0  }
0x16: {  	[sflag:s17] =	ssyncadd.s32 $0xFFFFD780  }
0x17: {  	[tilespmem:s18], [sflag:$0x7] =	stream.linear.gather [hbm4b:s7+s4], $0x80, $0x38;
	[tilespmem:$0x1ED00] =	vst v63  }
0x18: {  	_ =	swait.ge [sflag:s17], $0x80  }
0x19: {  	s1 =	simm.s32 $0x0;
	[sflag:s17] =	ssyncset.done $0x0  }
0x1a: {  	s31 =	simm.s32 $0x200;
	s10 =	rddreg [dreg:$0x4];
	[sflag:s17] =	ssyncadd.s32 $0xFFFFFF80  }
0x1b: {  	[tilespmem:s19], [sflag:$0x6] =	stream.linear.gather [hbm4b:s10+s4], $0x80, $0x38;
	[tilespmem:$0x1ED00] =	vst v63  }
.LBB2_2:
0x1c: {  	p0 =	sne.s32 s31, $0xFE00;
	[tilespmem:s1+$0x2D70] =	vst v0  }
0x1d: {  	[tilespmem:s1+$0x2D00] =	vst v0  }
0x1e: {  	[tilespmem:s1+$0x2D10] =	vst v0  }
.Ltmp0:
0x1f: {  	[tilespmem:s1+$0x2D20] =	vst v0;
	(pc) =	sbr.rel @p0 .LBB2_2-.Ltmp0, $4  }
0x20: {  	[tilespmem:s1+$0x2D30] =	vst v0  }
0x21: {  	[tilespmem:s1+$0x2D40] =	vst v0  }
0x22: {  	[tilespmem:s1+$0x2D50] =	vst v0  }
0x23: {  	[tilespmem:s1+$0x2D60] =	vst v0;
	s1 =	sshra.s32 s31, $0x2;
	s31 =	sadd.s32 $0x200, s31  }
0x24: {  	[tilespmem:s1+$0x2D70] =	vst v0  }
0x25: {  	[tilespmem:s1+$0x2D00] =	vst v0  }
0x26: {  	[tilespmem:s1+$0x2D10] =	vst v0  }
0x27: {  	[tilespmem:s1+$0x2D20] =	vst v0  }
0x28: {  	[tilespmem:s1+$0x2D30] =	vst v0  }
0x29: {  	[tilespmem:s1+$0x2D40] =	vst v0  }
0x2a: {  	[tilespmem:s1+$0x2D50] =	vst v0  }
0x2b: {  	[tilespmem:s1+$0x2D60] =	vst v0  }
0x2c: {  	[spmem:s8] =	stream.linear.scatter [tilespmem:s20], [sflag:$0x7], $0x4000, $0x38;
	[tilespmem:$0x1ED00] =	vst v63  }
0x2d: {  	_ =	swait.ge [sflag:s17], $0x4000  }
0x2e: {  	[sflag:s17] =	ssyncset.done $0x0  }
0x2f: {  	[sflag:s17] =	ssyncadd.s32 $0xFFFFC000  }
0x30: {  	[spmem:s11] =	stream.linear.scatter [tilespmem:s20], [sflag:$0x7], $0x4000, $0x38;
	[tilespmem:$0x1ED00] =	vst v63  }
0x31: {  	_ =	swait.ge [sflag:s17], $0x4000  }
0x32: {  	[sflag:s17] =	ssyncset.done $0x0  }
0x33: {  	[sflag:s17] =	ssyncadd.s32 $0xFFFFC000  }
0x34: {  	[spmem:s12] =	stream.linear.scatter [tilespmem:s20], [sflag:$0x7], $0x4000, $0x38;
	[tilespmem:$0x1ED00] =	vst v63  }
0x35: {  	_ =	swait.ge [sflag:s17], $0x4000  }
0x36: {  	[sflag:s17] =	ssyncset.done $0x0  }
0x37: {  	[sflag:s17] =	ssyncadd.s32 $0xFFFFC000  }
0x38: {  	[spmem:s13] =	stream.linear.scatter [tilespmem:s20], [sflag:$0x7], $0x4000, $0x38;
	[tilespmem:$0x1ED00] =	vst v63  }
0x39: {  	_ =	swait.ge [sflag:s17], $0x4000  }
0x3a: {  	[sflag:s17] =	ssyncset.done $0x0  }
0x3b: {  	[sflag:s17] =	ssyncadd.s32 $0xFFFFC000  }
0x3c: {  	[spmem:s14] =	stream.linear.scatter [tilespmem:s20], [sflag:$0x7], $0x4000, $0x38;
	[tilespmem:$0x1ED00] =	vst v63  }
0x3d: {  	_ =	swait.ge [sflag:s17], $0x4000  }
0x3e: {  	[sflag:s17] =	ssyncset.done $0x0  }
0x3f: {  	[sflag:s17] =	ssyncadd.s32 $0xFFFFC000  }
0x40: {  	s31 =	simm.s32 $0x80;
	[bflag:$0x0] =	sbarrier.arrive $0xFFFF  }
0x41: {  	[tilespmem:s20], [sflag:$0x1] =	stream.indirect.gather [hbm4b:s5+s31], $0x80, s4, s31, $0xb8;
	[tilespmem:$0x1ED00] =	vst v63  }
0x42: {  	_ =	swait.ge [sflag:s21], $0x4000  }
0x43: {  	[sflag:s21] =	ssyncset.done $0x0  }
0x44: {  	[sflag:s21] =	ssyncadd.s32 $0xFFFFC000  }
0x45: {  	[tilespmem:s23], [sflag:$0x2] =	stream.indirect.gather [hbm4b:s5+s22], $0x80, s31, s22, $0xb8;
	[tilespmem:$0x1ED00] =	vst v63  }
0x46: {  	_ = 	snop  }
0x47: {  	[spmem:s2] =	stream.indirect.scatter.add.f32 [tilespmem:s20], [sflag:$0x3], $0x80, s18, s22, $0xb8;
	[tilespmem:$0x1ED00] =	vst v63  }
0x48: {  	_ =	swait.ge [sflag:s24], $0x80  }
0x49: {  	[sflag:s24] =	ssyncset.done $0x0  }
0x4a: {  	[sflag:s24] =	ssyncadd.s32 $0xFFFFFF80  }
0x4b: {  	s10 =	simm.s32 $0x100;
	_ =	swait.ge [sflag:s25], $0x4000  }
0x4c: {  	s0 =	sand.u32 $0x7C00, s10;
	[sflag:s25] =	ssyncset.done $0x0  }
0x4d: {  	s1 =	sand.u32 $0x300, s10;
	s0 =	sadd.s32 s3, s0;
	[sflag:s25] =	ssyncadd.s32 $0xFFFFC000  }
0x4e: {  	s0 =	sor.u32 s1, s0;
	_ =	swait.ge [sflag:s26], $0x4000  }
0x4f: {  	s0 =	sshrl.u32 s0, $0x3;
	[sflag:s26] =	ssyncset.done $0x0  }
0x50: {  	s0 =	sadd.s32 s6, s0;
	[sflag:s26] =	ssyncadd.s32 $0xFFFFC000  }
0x51: {  	[tilespmem:s18], [sflag:$0x5] =	stream.linear.gather [hbm4b:s0+s4], $0x80, $0x38;
	[tilespmem:$0x1ED00] =	vst v63  }
0x52: {  	s0 =	simm.s32 $0x180  }
0x53: {  	s9 =	simm.s32 $0x100;
	s10 =	sand.u32 $0x7C00, s0  }
0x54: {  	[tilespmem:s20], [sflag:$0x1] =	stream.indirect.gather [hbm4b:s5+s22], $0x80, s9, s22, $0xb8;
	[tilespmem:$0x1ED00] =	vst v63  }
0x55: {  	s0 =	sand.u32 $0x380, s0;
	s1 =	sadd.s32 s3, s10  }
0x56: {  	[spmem:s2] =	stream.indirect.scatter.add.f32 [tilespmem:s23], [sflag:$0x4], $0x80, s19, s22, $0xb8;
	[tilespmem:$0x1ED00] =	vst v63  }
0x57: {  	s0 =	sor.u32 s0, s1;
	_ =	swait.ge [sflag:s28], $0x4000  }
0x58: {  	s0 =	sshrl.u32 s0, $0x3;
	[sflag:s28] =	ssyncset.done $0x0  }
0x59: {  	s0 =	sadd.s32 s6, s0;
	[sflag:s28] =	ssyncadd.s32 $0xFFFFC000  }
0x5a: {  	[tilespmem:s19], [sflag:$0x6] =	stream.linear.gather [hbm4b:s0+s4], $0x80, $0x38;
	[tilespmem:$0x1ED00] =	vst v63  }
0x5b: {  	s1 =	simm.s32 $0x280;
	_ =	swait.ge [sflag:s29], $0x80  }
.LBB2_4:
0x5c: {  	p0 =	sne.s32 s1, $0x2880;
	[sflag:s29] =	ssyncset.done $0x0;
	s31 =	sadd.s32 $0x100, s31  }
0x5d: {  	s0 =	smov.u32 s1;
	s1 =	sadd.s32 $0x100, s1;
	[sflag:s29] =	ssyncadd.s32 $0xFFFFFF80  }
0x5e: {  	_ =	swait.ge [sflag:s21], $0x4000  }
0x5f: {  	[sflag:s21] =	ssyncset.done $0x0  }
0x60: {  	[sflag:s21] =	ssyncadd.s32 $0xFFFFC000  }
0x61: {  	[tilespmem:s23], [sflag:$0x2] =	stream.indirect.gather [hbm4b:s5+s22], $0x80, s31, s22, $0xb8;
	[tilespmem:$0x1ED00] =	vst v63  }
0x62: {  	_ = 	snop  }
0x63: {  	[spmem:s2] =	stream.indirect.scatter.add.f32 [tilespmem:s20], [sflag:$0x3], $0x80, s18, s22, $0xb8;
	[tilespmem:$0x1ED00] =	vst v63  }
0x64: {  	_ =	swait.ge [sflag:s24], $0x80  }
0x65: {  	[sflag:s24] =	ssyncset.done $0x0  }
0x66: {  	[sflag:s24] =	ssyncadd.s32 $0xFFFFFF80  }
0x67: {  	s9 =	sadd.s32 $0xFFFFFF80, s0;
	_ =	swait.ge [sflag:s25], $0x4000  }
0x68: {  	s10 =	sand.u32 $0x7C00, s9;
	[sflag:s25] =	ssyncset.done $0x0  }
0x69: {  	s9 =	sand.u32 $0x300, s9;
	s10 =	sadd.s32 s3, s10;
	[sflag:s25] =	ssyncadd.s32 $0xFFFFC000  }
0x6a: {  	s9 =	sor.u32 s9, s10;
	_ =	swait.ge [sflag:s26], $0x4000  }
0x6b: {  	s9 =	sshrl.u32 s9, $0x3;
	[sflag:s26] =	ssyncset.done $0x0  }
0x6c: {  	s9 =	sadd.s32 s6, s9;
	[sflag:s26] =	ssyncadd.s32 $0xFFFFC000  }
0x6d: {  	[tilespmem:s18], [sflag:$0x5] =	stream.linear.gather [hbm4b:s9+s4], $0x80, $0x38;
	[tilespmem:$0x1ED00] =	vst v63  }
0x6e: {  	s9 =	sadd.s32 $0x80, s31  }
0x6f: {  	[tilespmem:s20], [sflag:$0x1] =	stream.indirect.gather [hbm4b:s5+s22], $0x80, s9, s22, $0xb8;
	[tilespmem:$0x1ED00] =	vst v63  }
0x70: {  	s9 =	sand.u32 $0x7C00, s0;
	s0 =	sand.u32 $0x380, s0  }
0x71: {  	[spmem:s2] =	stream.indirect.scatter.add.f32 [tilespmem:s23], [sflag:$0x4], $0x80, s19, s22, $0xb8;
	[tilespmem:$0x1ED00] =	vst v63  }
0x72: {  	s9 =	sadd.s32 s3, s9;
	_ =	swait.ge [sflag:s28], $0x4000  }
.Ltmp1:
0x73: {  	s0 =	sor.u32 s0, s9;
	[sflag:s28] =	ssyncset.done $0x0;
	(pc) =	sbr.rel @p0 .LBB2_4-.Ltmp1, $4  }
0x74: {  	s0 =	sshrl.u32 s0, $0x3;
	[sflag:s28] =	ssyncadd.s32 $0xFFFFC000  }
0x75: {  	s0 =	sadd.s32 s6, s0  }
0x76: {  	[tilespmem:s19], [sflag:$0x6] =	stream.linear.gather [hbm4b:s0+s4], $0x80, $0x38;
	[tilespmem:$0x1ED00] =	vst v63  }
0x77: {  	_ =	swait.ge [sflag:s29], $0x80  }
0x78: {  	[sflag:s29] =	ssyncset.done $0x0  }
0x79: {  	[sflag:s29] =	ssyncadd.s32 $0xFFFFFF80  }
0x7a: {  	_ =	swait.ge [sflag:s21], $0x4000  }
0x7b: {  	[sflag:s21] =	ssyncset.done $0x0  }
0x7c: {  	[sflag:s21] =	ssyncadd.s32 $0xFFFFC000  }
0x7d: {  	s0 =	stileid.u32;
	_ =	swait.ge [sflag:s24], $0x80  }
0x7e: {  	s1 =	sshrl.u32 s8, $0x3;
	s30 =	sadd.s32 $0x1, s30;
	[sflag:s24] =	ssyncset.done $0x0  }
0x7f: {  	s0 =	sshll.u32 s0, $0x6;
	p0 =	sne.s32 s30, s16;
	[sflag:s24] =	ssyncadd.s32 $0xFFFFFF80  }
.Ltmp2:
0x80: {  	s0 =	sor.u32 $0x1C07, s0;
	[bflag:$0x0] =	sbarrier.arrive $0xFFFF;
	(pc) =	sbr.rel @p0 .LBB2_1-.Ltmp2, $4  }
0x81: {  	[hbm:s15], [sflag:s0] =	dma.local [spmem:s1], $0x2800  }
0x82: {  	_ =	swait.ge [sflag:s17], $0x2800  }
0x83: {  	[sflag:s17] =	ssyncset.done $0x0  }
0x84: {  	[sflag:s17] =	ssyncadd.s32 $0xFFFFD800  }
0x85: {  	_ =	sfence.sel $0x180000  }
0x86: {  	[bflag:$0x0] =	sbarrier.arrive $0xFFFF  }
0x87: {  	_ =	strace $0x9000004D  }
0x88: {  	s0 =	stileid.u32;
	[bflag:$0x2] =	sbarrier.arrive $0xFFFF  }
0x89: {  	p0 =	sne.s32 s0, $0x0;
	s0 =	rddreg [dreg:$0x2]  }
0x8a: {  	s0 =	sadd.s32 @!p0 $0x100000, s0  }
0x8b: {  	[sflag:s0] =	ssyncadd.tile.s32 @!p0 $0x1;
	_ =	shalt  }
.Lfunc_end2:
_tile_overlayer_lowered:
.L_overlay_start_2:
0x8c: {  	(tag) =	ssettag $0x2  }
0x8d: {  	s0 =	rddreg [dreg:$0x0];
	s2 =	stileid.u32  }
0x8e: {  	s1 =	rddreg [dreg:$0x1];
	p0 =	sne.s32 s2, $0x0  }
0x8f: {  	s3 =	rddreg [dreg:$0x2];
	[bflag:$0x3] =	sbarrier.arrive $0xFFFF;
	s2 =	simm.s32 @!p0 $0x1C07  }
0x90: {  	[timem:s3], [sflag:s2] =	dma.local @!p0 [hbm:s0], s1  }
0x91: {  	s0 =	simm.s32 @!p0 $0x7  }
0x92: {  	_ =	swait.ge @!p0 [sflag:s0], s1  }
0x93: {  	s1 =	ssub.s32 @!p0 $0x0, s1;
	[sflag:s0] =	ssyncset.done @!p0 $0x0  }
0x94: {  	[sflag:s0] =	ssyncadd.s32 @!p0 s1  }
0x95: {  	[bflag:$0x3] =	sbarrier.arrive $0xFFFF  }
0x96: {  	_ =	shalt  }

// kernel: kernel.8.cloned.1.call-start
scs
__scs_entry_jumppad:
0x0: {  	(pc) =	sbr.rel $0x88, $3  }
0x1: {  	(tag) =	ssettag $0x0;
	lr =	simm.s32 $0x1  }
0x2: {  	[smem:$0x3F99] =	sst lr;
	_ =	strace $0xD0000000  }
0x3: {  	_ = 	snop  }
0x4: {  	_ = 	snop  }
0x5: {  	_ = 	snop  }
0x6: {  	_ = 	snop  }
0x7: {  	_ = 	snop  }
__scs_overlays_trampoline_lowered:
0x8: {  	[smem:$0x3FA8] =	sst s0  }
0x9: {  	[smem:$0x3FA9] =	sst s1  }
0xa: {  	[smem:$0x3FAA] =	sst s2  }
0xb: {  	[smem:$0x3FAB] =	sst s3  }
0xc: {  	[smem:$0x3FAC] =	sst s4  }
0xd: {  	[smem:$0x3FAD] =	sst s5  }
0xe: {  	[smem:$0x3FAE] =	sst s6  }
0xf: {  	[smem:$0x3FAF] =	sst s7  }
0x10: {  	[smem:$0x3FB0] =	sst s8  }
0x11: {  	[smem:$0x3FB1] =	sst s9;
	s0 =	simm.s32 @!p0 $0x0  }
0x12: {  	s1 =	sld [smem:$0x3F97];
	s0 =	simm.s32 @p0 $0x1  }
0x13: {  	[smem:$0x3FB2] =	sst s0;
	s0 =	simm.s32 @!p1 $0x0  }
0x14: {  	s2 =	sld [smem:$0x3F96];
	s0 =	simm.s32 @p1 $0x1  }
0x15: {  	[smem:$0x3FB3] =	sst s0;
	s0 =	simm.s32 @!p2 $0x0  }
0x16: {  	s3 =	sld [smem:$0x3FDB];
	s0 =	simm.s32 @p2 $0x1  }
0x17: {  	s4 =	simm.s32 $0x1BF5;
	[smem:$0x3FB5] =	sst s0  }
0x18: {  	s0 =	sld [smem:$0x3F98];
	_ =	swait.ge [sflag:s4], $0x0  }
0x19: {  	s7 =	sld [smem:$0x3F99]  }
0x1a: {  	s8 =	sadd.s32 $0xFFFFE003, lr  }
0x1b: {  	s9 =	sadd.s32 $0xFFFFFEF7, lr;
	s5 =	simm.s32 $0xFFFFFFFF;
	p2 =	slt.u32 s8, $0xFFFFF086  }
0x1c: {  	p1 =	slt.u32 s9, $0xF7A;
	s5 =	simm.s32 @!p2 $0x0  }
0x1d: {  	s5 =	simm.s32 @p1 $0x1;
	p0 =	seq.s32 s7, s2  }
0x1e: {  	s7 =	smul.u32 @!p0 $0xF7A, s2;
	p2 =	seq.s32 @!p0 s5, $0x0  }
0x1f: {  	s9 =	smul.u32 $0xF7A, s1;
	s8 =	simm.s32 @!p0 $0x1BF5;
	p2 =	por !p2, p0  }
0x20: {  	[sflag:s8] =	ssyncset.s32 @!p0 $0xFFFFF086;
	s6 =	sadd.s32 @!p0 s3, s7;
	s7 =	simm.s32 @!p0 $0x108  }
0x21: {  	s3 =	sadd.s32 s3, s9;
	s6 =	sadd.s32 @!p0 $0x88, s6;
	s7 =	simm.s32 @p2 $0x1082  }
0x22: {  	[simem:s7], [sflag:s8] =	dma.local @!p0 [hbm:s6], $0xF7A  }
0x23: {  	s9 =	sor.u32 $0xD0000000, s2;
	s6 =	simm.s32 $0x108;
	_ =	swait.ge @!p0 [sflag:s8], $0x0  }
0x24: {  	s3 =	sadd.s32 $0x88, s3;
	s6 =	simm.s32 @!p1 $0x1082;
	[sflag:s4] =	ssyncset.s32 $0xFFFFF086  }
0x25: {  	[simem:s6], [sflag:s4] =	dma.local [hbm:s3], $0xF7A  }
0x26: {  	[smem:$0x3F99] =	sst s1;
	(tag) =	ssettag s2;
	_ =	strace s9  }
0x27: {  	s1 =	sld [smem:$0x3FA9]  }
0x28: {  	s2 =	sld [smem:$0x3FAA]  }
0x29: {  	s4 =	sld [smem:$0x3FAC]  }
0x2a: {  	p0 =	seq.s32 s5, $0x0;
	s5 =	sld [smem:$0x3FAD]  }
0x2b: {  	s6 =	sld [smem:$0x3FAE]  }
0x2c: {  	s7 =	sld [smem:$0x3FAF]  }
0x2d: {  	s3 =	simm.s32 $0x108;
	s8 =	sld [smem:$0x3FB0]  }
0x2e: {  	s3 =	simm.s32 @!p0 $0x1082;
	s9 =	sld [smem:$0x3FB1]  }
0x2f: {  	lr =	sadd.s32 s0, s3;
	s0 =	sld [smem:$0x3FA8]  }
0x30: {  	s3 =	sld [smem:$0x3FAB]  }
0x31: {  	[smem:$0x3FB4] =	sst s10  }
0x32: {  	s10 =	sld [smem:$0x3FB2];
	_ =	sdelay $0x3  }
0x33: {  	p0 =	seq.s32 s10, $0x1;
	s10 =	sld [smem:$0x3FB4];
	_ =	sdelay $0x3  }
0x34: {  	[smem:$0x3FB4] =	sst s10  }
0x35: {  	s10 =	sld [smem:$0x3FB3];
	_ =	sdelay $0x3  }
0x36: {  	p1 =	seq.s32 s10, $0x1;
	s10 =	sld [smem:$0x3FB4];
	_ =	sdelay $0x3  }
0x37: {  	[smem:$0x3FB4] =	sst s10  }
0x38: {  	s10 =	sld [smem:$0x3FB5]  }
0x39: {  	_ = 	snop;
	(pc) =	sbr.ind lr, $3  }
0x3a: {  	_ = 	snop  }
0x3b: {  	_ = 	snop  }
0x3c: {  	p2 =	seq.s32 s10, $0x1;
	s10 =	sld [smem:$0x3FB4]  }
0x3d: {  	_ =	shalt  }
0x3e: {  	_ =	shalt  }
0x3f: {  	_ =	shalt  }
0x40: {  	_ =	shalt  }
0x41: {  	_ =	shalt  }
0x42: {  	_ =	shalt  }
0x43: {  	_ =	shalt  }
0x44: {  	_ =	shalt  }
0x45: {  	_ =	shalt  }
0x46: {  	_ =	shalt  }
0x47: {  	_ =	shalt  }
0x48: {  	_ =	shalt  }
0x49: {  	_ =	shalt  }
0x4a: {  	_ =	shalt  }
0x4b: {  	_ =	shalt  }
0x4c: {  	_ =	shalt  }
0x4d: {  	_ =	shalt  }
0x4e: {  	_ =	shalt  }
0x4f: {  	_ =	shalt  }
0x50: {  	_ =	shalt  }
0x51: {  	_ =	shalt  }
0x52: {  	_ =	shalt  }
0x53: {  	_ =	shalt  }
0x54: {  	_ =	shalt  }
0x55: {  	_ =	shalt  }
0x56: {  	_ =	shalt  }
0x57: {  	_ =	shalt  }
0x58: {  	_ =	shalt  }
0x59: {  	_ =	shalt  }
0x5a: {  	_ =	shalt  }
0x5b: {  	_ =	shalt  }
0x5c: {  	_ =	shalt  }
0x5d: {  	_ =	shalt  }
0x5e: {  	_ =	shalt  }
0x5f: {  	_ =	shalt  }
0x60: {  	_ =	shalt  }
0x61: {  	_ =	shalt  }
0x62: {  	_ =	shalt  }
0x63: {  	_ =	shalt  }
0x64: {  	_ =	shalt  }
0x65: {  	_ =	shalt  }
0x66: {  	_ =	shalt  }
0x67: {  	_ =	shalt  }
0x68: {  	_ =	shalt  }
0x69: {  	_ =	shalt  }
0x6a: {  	_ =	shalt  }
0x6b: {  	_ =	shalt  }
0x6c: {  	_ =	shalt  }
0x6d: {  	_ =	shalt  }
0x6e: {  	_ =	shalt  }
0x6f: {  	_ =	shalt  }
0x70: {  	_ =	shalt  }
0x71: {  	_ =	shalt  }
0x72: {  	_ =	shalt  }
0x73: {  	_ =	shalt  }
0x74: {  	_ =	shalt  }
0x75: {  	_ =	shalt  }
0x76: {  	_ =	shalt  }
0x77: {  	_ =	shalt  }
0x78: {  	_ =	shalt  }
0x79: {  	_ =	shalt  }
0x7a: {  	_ =	shalt  }
0x7b: {  	_ =	shalt  }
0x7c: {  	_ =	shalt  }
0x7d: {  	_ =	shalt  }
0x7e: {  	_ =	shalt  }
0x7f: {  	_ =	shalt  }
0x80: {  	_ =	shalt  }
0x81: {  	_ =	shalt  }
0x82: {  	_ =	shalt  }
0x83: {  	_ =	shalt  }
0x84: {  	_ =	shalt  }
0x85: {  	_ =	shalt  }
0x86: {  	_ =	shalt  }
0x87: {  	_ =	shalt  }
.Lfunc_end0:
.L_simem_size_0:
called_computation_lowered:
.L_overlay_start_0:
0x88: {  	s2 =	sld [smem:$0x3FD9]  }
0x89: {  	s3 =	sld [smem:$0x3FFE];
	_ =	sdelay $0x1  }
0x8a: {  	s1 =	srdreg.scid  }
0x8b: {  	s0 =	sand.u32 $0x1, s1  }
0x8c: {  	s16 =	sshll.u32 s0, $0xA;
	s2 =	sadd.s32 s3, s2  }
0x8d: {  	s2 =	sadd.s32 s2, s16  }
0x8e: {  	[smem:$0x3FC0] =	sst s2  }
0x8f: {  	_ = 	snop  }
0x90: {  	(tm) =	ssettm $0x1  }
0x91: {  	s17 =	sld [smem:$0x3FFB];
	_ =	sdelay $0x3  }
0x92: {  	_ =	strace s17  }
0x93: {  	s2 =	sld [smem:$0x3FFC];
	_ =	sdelay $0x3  }
0x94: {  	_ =	strace s2  }
0x95: {  	s2 =	sld [smem:$0x3FFD];
	_ =	sdelay $0x3  }
0x96: {  	_ =	strace s2  }
0x97: {  	_ =	strace $0x8FFFFFFF  }
0x98: {  	s18 =	sld [smem:$0x3FDB];
	_ =	sdelay $0x1  }
0x99: {  	s19 =	simm.s32 $_scs_section_size  }
0x9a: {  	s4 =	simm.s32 $_size__tile_overlayer_lowered;
	s5 =	simm.s32 $_tile_overlayer_lowered  }
0x9b: {  	s22 =	simm.s32 $0x1BFF;
	s21 =	sshll.u32 s5, $0x1;
	s2 =	sadd.s32 s19, s18  }
0x9c: {  	s6 =	simm.s32 $0x0;
	s20 =	sshll.u32 s4, $0x1;
	s4 =	sadd.s32 s21, s2  }
0x9d: {  	[timem:s6], [sflag:s22] =	dma.local [hbm:s4], s20  }
0x9e: {  	_ =	swait.ge [sflag:s22], s20  }
0x9f: {  	s3 =	ssub.s32 $0x0, s20;
	[sflag:s22] =	ssyncset.done $0x0  }
0xa0: {  	[sflag:s22] =	ssyncadd.s32 s3;
	_ =	sdelay $0x1  }
0xa1: {  	s23 =	simm.s32 $0x1B8B  }
0xa2: {  	_ =	swait.ge [sflag:s23], $0x1  }
0xa3: {  	[sflag:s23] =	ssyncset.done $0x0  }
0xa4: {  	s25 =	simm.s32 $0x1B8E;
	s24 =	sld [smem:$0x3FFE];
	[sflag:s23] =	ssyncadd.s32 $0xFFFFFFFF  }
0xa5: {  	s26 =	simm.s32 $execute0_lowered;
	[smem:$0x3FD2] =	sst s25  }
0xa6: {  	s4 =	sshll.u32 s26, $0x1;
	_ =	strace $0x80000046;
	[dreg:$0x1] =	wrdreg $0xFFFFFFFF  }
0xa7: {  	s28 =	simm.s32 $_size_execute0_lowered;
	s2 =	sadd.s32 s2, s4;
	[dreg:$0x0] =	wrdreg $0x0  }
0xa8: {  	s4 =	sshll.u32 s28, $0x1;
	[dreg:$0x2] =	wrdreg s2  }
0xa9: {  	[dreg:$0x3] =	wrdreg s4  }
0xaa: {  	[dreg:$0x4] =	wrdreg $0xC0  }
0xab: {  	_ =	task [dreg:s6], $0x5FFFF  }
0xac: {  	[dreg:$0x1] =	wrdreg $0xFFFFFFFF  }
0xad: {  	[dreg:$0x0] =	wrdreg $0x60  }
0xae: {  	[dreg:$0x2] =	wrdreg s24  }
0xaf: {  	[dreg:$0x3] =	wrdreg $0x2B000  }
0xb0: {  	[dreg:$0x4] =	wrdreg $0x9  }
0xb1: {  	_ =	task.clear_ibuf [dreg:s6], $0x5FFFF;
	_ =	strace $0x90000046  }
0xb2: {  	s29 =	simm.s32 $0x9;
	_ =	strace $0x80000048  }
0xb3: {  	_ =	swait.ge [sflag:s29], $0x1  }
0xb4: {  	[sflag:s29] =	ssyncadd.s32 $0xFFFFFFFF  }
0xb5: {  	_ =	strace $0x90000048  }
0xb6: {  	_ =	sfence  }
0xb7: {  	s30 =	sld [smem:$0x0];
	_ =	sdelay $0x2  }
0xb8: {  	s31 =	sshll.u32 s1, $0xD;
	s1 =	sshrl.u32 s1, $0x2  }
0xb9: {  	s3 =	sand.u32 $0x4000, s31;
	s1 =	sadd.s32 s1, s30  }
0xba: {  	s0 =	sor.u32 s3, s0;
	s1 =	sshll.u32 s1, $0x11  }
0xbb: {  	s0 =	sor.u32 s1, s0  }
0xbc: {  	s0 =	sadd.s32 $0x8F2B, s0  }
0xbd: {  	[sflag:s0] =	ssyncadd.remote.s32 $0x1  }
0xbe: {  	_ =	sfence.sel $0xFFFF  }
0xbf: {  	[dreg:$0x0] =	wrdreg $0xFFFFFFFF;
	(pc) =	sbr.abs _section_cstart, $3  }
0xc0: {  	[dreg:$0x1] =	wrdreg $0xFFFFFFFF  }
0xc1: {  	_ =	task.clear_ibuf [dreg:s6], $0x2FFFF;
	_ =	strace $0x9FFFFFFF  }
0xc2: {  	(tm) =	ssettm $0x7FFFFFFF  }
0xc3: {  	_ =	shalt  }
tec
execute0_lowered:
.L_overlay_start_1:
0x0: {  	(tag) =	ssettag $0x1  }
0x1: {  	s4 =	rddreg [dreg:$0x0]  }
0x2: {  	s2 =	rddreg [dreg:$0x1]  }
0x3: {  	s0 =	rddreg [dreg:$0x2]  }
0x4: {  	s5 =	srdreg.scid;
	s1 =	stileid.u32  }
0x5: {  	s3 =	simm.s32 $0x0;
	s10 =	simm.s32 $0x80;
	s11 =	simm.s32 $0x2800  }
0x6: {  	s12 =	simm.s32 $0x1;
	s15 =	simm.s32 $0x20;
	s16 =	simm.s32 $0x10  }
0x7: {  	s17 =	simm.s32 $0x0;
	s5 =	sand.u32 $0x1, s5;
	s7 =	smul.u32 $0x500, s1  }
0x8: {  	s6 =	sshll.u32 s1, $0x1;
	[smem:$0x7FF] =	sst s3;
	s30 =	smul.u32 $0xA00, s1  }
0x9: {  	s13 =	sshll.u32 s1, $0x6;
	s6 =	sor.u32 s5, s6;
	_ =	strace $0x80000047  }
0xa: {  	s8 =	sshll.u32 s5, $0x7;
	s5 =	ssub.s32 $0x2, s5;
	s13 =	sor.u32 $0x1C02, s13  }
0xb: {  	s6 =	smul.u32 $0x580, s6;
	s7 =	sor.u32 s8, s7;
	s9 =	sshrl.u32 s5, $0x1  }
0xc: {  	s31 =	sshrl.u32 s30, $0x2;
	s8 =	simm.s32 $0x2;
	s7 =	sshrl.u32 s7, $0x3  }
0xd: {  	s9 =	ssub.s32 s5, s9;
	s5 =	sadd.s32 s31, s2;
	s6 =	sadd.s32 s6, s4  }
0xe: {  	s7 =	sadd.s32 s7, s4;
	s14 =	sshrl.u32 s5, $0x3;
	s4 =	sadd.s32 $0x1E00, s6  }
0xf: {  	v0 =	vimm.f32 $0.0e+00;
	v1 =	vimm.f32 $1.000000000e+00;
	s6 =	sadd.s32 $0xCE00, s7;
	s7 =	smax.u32 s9, $0x1;
	s9 =	simm.s32 $0x2880  }
.LBB2_1:
0x10: {  	[tilespmem:s3], [sflag:$0x2] =	stream.linear.gather [hbm4b:s4+s3], $0x2800, $0x38;
	[tilespmem:$0x2D80] =	vst v63  }
0x11: {  	_ =	swait.ge [sflag:s8], $0x2800  }
0x12: {  	[sflag:s8] =	ssyncset.done $0x0  }
0x13: {  	[sflag:s8] =	ssyncadd.s32 $0xFFFFD800  }
0x14: {  	[tilespmem:$0x2880] =	vst v0  }
0x15: {  	[tilespmem:$0x2890] =	vst v0  }
0x16: {  	[tilespmem:$0x28A0] =	vst v0  }
0x17: {  	[tilespmem:$0x28B0] =	vst v0  }
0x18: {  	[tilespmem:$0x28C0] =	vst v0  }
0x19: {  	[tilespmem:$0x28D0] =	vst v0  }
0x1a: {  	[tilespmem:$0x28E0] =	vst v0  }
0x1b: {  	[tilespmem:$0x28F0] =	vst v0  }
0x1c: {  	[tilespmem:$0x2900] =	vst v0  }
0x1d: {  	[tilespmem:$0x2910] =	vst v0  }
0x1e: {  	[tilespmem:$0x2920] =	vst v0  }
0x1f: {  	[tilespmem:$0x2930] =	vst v0  }
0x20: {  	[tilespmem:$0x2940] =	vst v0  }
0x21: {  	[tilespmem:$0x2950] =	vst v0  }
0x22: {  	[tilespmem:$0x2960] =	vst v0  }
0x23: {  	[tilespmem:$0x2970] =	vst v0  }
0x24: {  	[tilespmem:$0x2980] =	vst v0  }
0x25: {  	[tilespmem:$0x2990] =	vst v0  }
0x26: {  	[tilespmem:$0x29A0] =	vst v0  }
0x27: {  	[tilespmem:$0x29B0] =	vst v0  }
0x28: {  	[tilespmem:$0x29C0] =	vst v0  }
0x29: {  	[tilespmem:$0x29D0] =	vst v0  }
0x2a: {  	[tilespmem:$0x29E0] =	vst v0  }
0x2b: {  	[tilespmem:$0x29F0] =	vst v0  }
0x2c: {  	[tilespmem:$0x2A00] =	vst v0  }
0x2d: {  	[tilespmem:$0x2A10] =	vst v0  }
0x2e: {  	[tilespmem:$0x2A20] =	vst v0  }
0x2f: {  	[tilespmem:$0x2A30] =	vst v0  }
0x30: {  	[tilespmem:$0x2A40] =	vst v0  }
0x31: {  	[tilespmem:$0x2A50] =	vst v0  }
0x32: {  	[tilespmem:$0x2A60] =	vst v0  }
0x33: {  	[tilespmem:$0x2A70] =	vst v0  }
0x34: {  	[tilespmem:$0x2A80] =	vst v0  }
0x35: {  	[tilespmem:$0x2A90] =	vst v0  }
0x36: {  	[tilespmem:$0x2AA0] =	vst v0  }
0x37: {  	[tilespmem:$0x2AB0] =	vst v0  }
0x38: {  	[tilespmem:$0x2AC0] =	vst v0  }
0x39: {  	[tilespmem:$0x2AD0] =	vst v0  }
0x3a: {  	[tilespmem:$0x2AE0] =	vst v0  }
0x3b: {  	[tilespmem:$0x2AF0] =	vst v0  }
0x3c: {  	[tilespmem:$0x2800] =	vst v1  }
0x3d: {  	[tilespmem:$0x2810] =	vst v1  }
0x3e: {  	[tilespmem:$0x2820] =	vst v1  }
0x3f: {  	[tilespmem:$0x2830] =	vst v1  }
0x40: {  	[tilespmem:$0x2840] =	vst v1  }
0x41: {  	[tilespmem:$0x2850] =	vst v1  }
0x42: {  	[tilespmem:$0x2860] =	vst v1  }
0x43: {  	[tilespmem:$0x2870] =	vst v1  }
0x44: {  	[spmem:s5] =	stream.linear.scatter [tilespmem:s9], [sflag:$0x2], $0x280, $0x38;
	[tilespmem:$0x2D80] =	vst v63  }
0x45: {  	_ =	swait.ge [sflag:s8], $0x280  }
0x46: {  	[sflag:s8] =	ssyncset.done $0x0  }
0x47: {  	[sflag:s8] =	ssyncadd.s32 $0xFFFFFD80  }
0x48: {  	s18 =	simm.s32 $0x0;
	[bflag:$0x0] =	sbarrier.arrive $0xFFFF  }
.LBB2_2:
0x49: {  	p0 =	sne.s32 s18, $0x9E00  }
.Ltmp0:
0x4a: {  	_ = 	snop;
	(pc) =	sbr.rel @p0 .LBB2_2-.Ltmp0, $3  }
0x4b: {  	_ =	sdelay $0x1  }
0x4c: {  	s19 =	sshra.s32 s18, $0x2;
	s18 =	sadd.s32 $0x200, s18  }
0x4d: {  	[spmem:s2] =	stream.indirect.scatter.add.f32 [tilespmem:s11], [sflag:$0x1], $0x1, s19, s10, $0xb8;
	[tilespmem:$0x2D80] =	vst v63  }
0x4e: {  	_ =	swait.ge [sflag:s12], $0x80  }
0x4f: {  	s18 =	simm.s32 $0x4F;
	[sflag:s12] =	ssyncset.done $0x0  }
.LBB2_4:
0x50: {  	p0 =	sne.s32 s18, $0x1;
	s18 =	sadd.s32 $0xFFFFFFFF, s18;
	[sflag:s12] =	ssyncadd.s32 $0xFFFFFF80  }
.Ltmp1:
0x51: {  	(pc) =	sbr.rel @p0 .LBB2_4-.Ltmp1, $3  }
0x52: {  	_ =	sdelay $0x1  }
0x53: {  	_ =	swait.ge [sflag:s12], $0x80  }
0x54: {  	[sflag:s12] =	ssyncset.done $0x0  }
0x55: {  	s17 =	sadd.s32 $0x1, s17  }
0x56: {  	[sflag:s12] =	ssyncadd.s32 $0xFFFFFF80;
	p0 =	sne.s32 s17, s7  }
.Ltmp2:
0x57: {  	[bflag:$0x0] =	sbarrier.arrive $0xFFFF;
	(pc) =	sbr.rel @p0 .LBB2_1-.Ltmp2, $4  }
0x58: {  	[hbm:s6@s15], [sflag:s13] =	dma.strided [spmem:s14@s16], $0x50, s12, $0x10   }
0x59: {  	_ =	swait.ge [sflag:s8], $0x50  }
0x5a: {  	[sflag:s8] =	ssyncset.done $0x0  }
0x5b: {  	[sflag:s8] =	ssyncadd.s32 $0xFFFFFFB0  }
0x5c: {  	_ =	sfence.sel $0x180000  }
0x5d: {  	[bflag:$0x0] =	sbarrier.arrive $0xFFFF  }
0x5e: {  	p0 =	sne.s32 s1, $0x0;
	_ =	strace $0x90000047  }
0x5f: {  	s0 =	sadd.s32 @!p0 $0x100000, s0;
	[bflag:$0x2] =	sbarrier.arrive $0xFFFF  }
0x60: {  	[sflag:s0] =	ssyncadd.tile.s32 @!p0 $0x1;
	_ =	shalt  }
.Lfunc_end2:
_tile_overlayer_lowered:
.L_overlay_start_2:
0x61: {  	(tag) =	ssettag $0x2  }
0x62: {  	s0 =	rddreg [dreg:$0x0];
	s2 =	stileid.u32  }
0x63: {  	s1 =	rddreg [dreg:$0x1];
	p0 =	sne.s32 s2, $0x0  }
0x64: {  	s3 =	rddreg [dreg:$0x2];
	[bflag:$0x3] =	sbarrier.arrive $0xFFFF;
	s2 =	simm.s32 @!p0 $0x1C02  }
0x65: {  	[timem:s3], [sflag:s2] =	dma.local @!p0 [hbm:s0], s1  }
0x66: {  	s0 =	simm.s32 @!p0 $0x2  }
0x67: {  	_ =	swait.ge @!p0 [sflag:s0], s1  }
0x68: {  	s1 =	ssub.s32 @!p0 $0x0, s1;
	[sflag:s0] =	ssyncset.done @!p0 $0x0  }
0x69: {  	[sflag:s0] =	ssyncadd.s32 @!p0 s1  }
0x6a: {  	[bflag:$0x3] =	sbarrier.arrive $0xFFFF  }
0x6b: {  	_ =	shalt  }

</sc_bundles>
